<compile_context>
chip_gen: v7x
topology: tpu7x:2x2x1
jax: 0.10.2.dev20260603
libtpu: 0.0.44.dev20260713+nightly
codegen_flags: <defaults>
</compile_context>

<pallas_src>
import functools

import jax
import jax.numpy as jnp
from jax import lax
from jax.experimental import pallas as pl
from jax.experimental.pallas import tpu as pltpu
from jax.experimental.pallas import tpu_sc as plsc

N = 10000
E = 320000
D_IN = 128
D_H = 64
EPS = 1e-5

NC = 2
NS = 16
NW = NC * NS

BATCH = 128
K = 80
EPW = K * BATCH
E_PAD = NW * EPW
NPAD = 10112
RPT = NPAD // NS
DEG_W = 16

_mesh = plsc.VectorSubcoreMesh(core_axis_name="c", subcore_axis_name="s")
_sc_params = pltpu.CompilerParams(use_tc_tiling_on_sc=False)


@functools.partial(
    pl.kernel,
    mesh=_mesh,
    compiler_params=_sc_params,
    out_type=jax.ShapeDtypeStruct((NC, NPAD, DEG_W), jnp.float32),
    scratch_types=[
        pltpu.VMEM((K, BATCH), jnp.int32),
        pltpu.VMEM((BATCH, DEG_W), jnp.float32),
        pltpu.VMEM_SHARED((NPAD, DEG_W), jnp.float32),
        pltpu.SemaphoreType.DMA,
    ],
)
def _sc_degree(dst_hbm, ones_hbm, zeros_hbm, deg_hbm, dst_v, ones_v, acc_sh, sem):
    c = lax.axis_index("c")
    s = lax.axis_index("s")
    wid = s * NC + c
    pltpu.async_copy(dst_hbm.at[wid], dst_v, sem)
    pltpu.async_copy(ones_hbm, ones_v, sem)
    pltpu.sync_copy(zeros_hbm.at[pl.ds(s * RPT, RPT)], acc_sh.at[pl.ds(s * RPT, RPT)])
    pltpu.make_async_copy(dst_hbm.at[wid], dst_v, sem).wait()
    pltpu.make_async_copy(ones_hbm, ones_v, sem).wait()
    plsc.subcore_barrier()

    def fire(j, carry):
        pltpu.async_copy(ones_v, acc_sh.at[dst_v.at[j]], sem, add=True)
        return carry

    def drain(j, carry):
        pltpu.make_async_copy(ones_v, acc_sh.at[dst_v.at[j]], sem).wait()
        return carry

    lax.fori_loop(0, K, fire, 0)
    lax.fori_loop(0, K, drain, 0)
    plsc.subcore_barrier()
    pltpu.sync_copy(acc_sh.at[pl.ds(s * RPT, RPT)], deg_hbm.at[c, pl.ds(s * RPT, RPT)])


@functools.partial(
    pl.kernel,
    mesh=_mesh,
    compiler_params=_sc_params,
    out_type=jax.ShapeDtypeStruct((NC, NPAD, D_H), jnp.float32),
    scratch_types=[
        pltpu.VMEM((K + 1, BATCH), jnp.int32),
        pltpu.VMEM((K, BATCH), jnp.int32),
        pltpu.VMEM((1, BATCH), jnp.int32),
        pltpu.VMEM((BATCH, D_H), jnp.float32),
        pltpu.VMEM((BATCH, D_H), jnp.float32),
        pltpu.VMEM_SHARED((N, D_H), jnp.float32),
        pltpu.VMEM_SHARED((NPAD, D_H), jnp.float32),
        pltpu.SemaphoreType.DMA,
        pltpu.SemaphoreType.DMA,
        pltpu.SemaphoreType.DMA,
        pltpu.SemaphoreType.DMA,
    ],
)
def _sc_scatter(h_hbm, src_hbm, dst_hbm, pad_hbm, zeros_hbm, out_hbm,
                src_v, dst_v, pad_v, rows_a, rows_b, table_sh, acc_sh,
                ga, gb, sa, sb):
    c = lax.axis_index("c")
    s = lax.axis_index("s")
    wid = s * NC + c
    srt = N // NS
    pltpu.async_copy(src_hbm.at[wid], src_v, ga)
    pltpu.async_copy(dst_hbm.at[wid], dst_v, gb)
    pltpu.async_copy(pad_hbm, pad_v, sa)
    pltpu.async_copy(h_hbm.at[pl.ds(s * srt, srt)], table_sh.at[pl.ds(s * srt, srt)], sb)
    pltpu.sync_copy(zeros_hbm.at[pl.ds(s * RPT, RPT)], acc_sh.at[pl.ds(s * RPT, RPT)])
    pltpu.make_async_copy(src_hbm.at[wid], src_v, ga).wait()
    pltpu.make_async_copy(dst_hbm.at[wid], dst_v, gb).wait()
    pltpu.make_async_copy(pad_hbm, pad_v, sa).wait()
    pltpu.make_async_copy(h_hbm.at[pl.ds(s * srt, srt)], table_sh.at[pl.ds(s * srt, srt)], sb).wait()
    plsc.subcore_barrier()

    pltpu.async_copy(table_sh.at[src_v.at[0]], rows_a, ga)
    pltpu.async_copy(rows_b, acc_sh.at[pad_v.at[0]], sb, add=True)

    def pair(i, carry):
        j = 2 * i
        pltpu.make_async_copy(rows_b, acc_sh.at[pad_v.at[0]], sb).wait()
        pltpu.make_async_copy(table_sh.at[src_v.at[j]], rows_a, ga).wait()
        pltpu.async_copy(table_sh.at[src_v.at[j + 1]], rows_b, gb)
        pltpu.async_copy(rows_a, acc_sh.at[dst_v.at[j]], sa, add=True)
        pltpu.make_async_copy(rows_a, acc_sh.at[pad_v.at[0]], sa).wait()
        pltpu.make_async_copy(table_sh.at[src_v.at[j + 1]], rows_b, gb).wait()
        pltpu.async_copy(table_sh.at[src_v.at[j + 2]], rows_a, ga)
        pltpu.async_copy(rows_b, acc_sh.at[dst_v.at[j + 1]], sb, add=True)
        return carry

    lax.fori_loop(0, K // 2, pair, 0)
    pltpu.make_async_copy(rows_b, acc_sh.at[pad_v.at[0]], sb).wait()
    pltpu.make_async_copy(table_sh.at[src_v.at[K]], rows_a, ga).wait()
    plsc.subcore_barrier()
    pltpu.sync_copy(acc_sh.at[pl.ds(s * RPT, RPT)], out_hbm.at[c, pl.ds(s * RPT, RPT)])


def _tc_pre(deg_ref, x_ref, w0_ref, hs_ref, dinv_ref):
    deg = deg_ref[0, :N, 0:1] + deg_ref[1, :N, 0:1] + 1.0
    dinv = lax.rsqrt(deg)
    dinv_ref[...] = dinv
    hs_ref[...] = jnp.dot(x_ref[...] * dinv, w0_ref[...],
                          preferred_element_type=jnp.float32)


def _bn_relu(pre, gamma, beta):
    mean = jnp.mean(pre, axis=0, keepdims=True)
    var = jnp.mean((pre - mean) ** 2, axis=0, keepdims=True)
    y = (pre - mean) * lax.rsqrt(var + EPS) * gamma + beta
    return jnp.maximum(y, 0.0)


def _tc_mid(s_ref, hs_ref, dinv_ref, b0_ref, gamma_ref, beta_ref, w1_ref, hs1_ref):
    pre = (s_ref[0, :N, :] + s_ref[1, :N, :] + hs_ref[...]) * dinv_ref[...] + b0_ref[...]
    h = _bn_relu(pre, gamma_ref[...], beta_ref[...])
    hs1_ref[...] = jnp.dot(h * dinv_ref[...], w1_ref[...],
                           preferred_element_type=jnp.float32)


def _tc_post(s_ref, hs_ref, dinv_ref, b1_ref, gamma_ref, beta_ref, out_ref):
    pre = (s_ref[0, :N, :] + s_ref[1, :N, :] + hs_ref[...]) * dinv_ref[...] + b1_ref[...]
    out_ref[...] = _bn_relu(pre, gamma_ref[...], beta_ref[...])


@jax.jit
def kernel(x, edge_index, W0, b0, W1, b1, gamma, beta):
    pad = E_PAD - E
    src = jnp.concatenate([edge_index[0], jnp.zeros((pad,), jnp.int32)])
    dst = jnp.concatenate([edge_index[1], jnp.full((pad,), N, jnp.int32)])
    src3 = src.reshape(NW, K, BATCH)
    dst3 = dst.reshape(NW, K, BATCH)
    src4 = jnp.concatenate([src3, jnp.zeros((NW, 1, BATCH), jnp.int32)], axis=1)
    pad_idx = jnp.full((1, BATCH), N, jnp.int32)

    ones_deg = jnp.ones((BATCH, DEG_W), jnp.float32)
    zeros_deg = jnp.zeros((NPAD, DEG_W), jnp.float32)
    zeros_acc = jnp.zeros((NPAD, D_H), jnp.float32)

    deg_parts = _sc_degree(dst3, ones_deg, zeros_deg)

    b0r = b0.reshape(1, D_H)
    b1r = b1.reshape(1, D_H)
    gr = gamma.reshape(1, D_H)
    br = beta.reshape(1, D_H)

    hs0, dinv = pl.pallas_call(
        _tc_pre,
        out_shape=[
            jax.ShapeDtypeStruct((N, D_H), jnp.float32),
            jax.ShapeDtypeStruct((N, 1), jnp.float32),
        ],
    )(deg_parts, x, W0)

    s0_parts = _sc_scatter(hs0, src4, dst3, pad_idx, zeros_acc)

    hs1 = pl.pallas_call(
        _tc_mid,
        out_shape=jax.ShapeDtypeStruct((N, D_H), jnp.float32),
    )(s0_parts, hs0, dinv, b0r, gr, br, W1)

    s1_parts = _sc_scatter(hs1, src4, dst3, pad_idx, zeros_acc)

    out = pl.pallas_call(
        _tc_post,
        out_shape=jax.ShapeDtypeStruct((N, D_H), jnp.float32),
    )(s1_parts, hs1, dinv, b1r, gr, br)

    return (out, out)

# --- scband reference (transcript-rebuilt; emitter-appended) ---
"""Pipeline reference for scband-gcnmodel-66451734003819 (READ-ONLY COPY).

The authoritative reference and input builder live on the scoring server;
editing this copy changes nothing except your own understanding.
"""

import jax, jax.numpy as jnp
import numpy as np

N = 10000
E = 320000
D_IN = 128
D_H = 64  # out_channels(32) * heads(2)
EPS = 1e-5


def setup_inputs(seed: int = 0) -> dict:
    key = jax.random.key(seed)
    ks = jax.random.split(key, 8)
    x = jax.random.normal(ks[0], (N, D_IN), dtype=jnp.float32)
    edge_index = jax.random.randint(ks[1], (2, E), 0, N, dtype=jnp.int32)
    W0 = jax.random.normal(ks[2], (D_IN, D_H), dtype=jnp.float32) * (1.0 / np.sqrt(D_IN))
    b0 = jnp.zeros((D_H,), dtype=jnp.float32)
    W1 = jax.random.normal(ks[3], (D_H, D_H), dtype=jnp.float32) * (1.0 / np.sqrt(D_H))
    b1 = jnp.zeros((D_H,), dtype=jnp.float32)
    gamma = jnp.ones((D_H,), dtype=jnp.float32)
    beta = jnp.zeros((D_H,), dtype=jnp.float32)
    return {"x": x, "edge_index": edge_index, "W0": W0, "b0": b0, "W1": W1, "b1": b1, "gamma": gamma, "beta": beta}


def _gcn_conv(x, edge_index, W, b):
    # GCNConv: add self-loops, symmetric normalization D^-1/2 (A+I) D^-1/2 X W + b
    src = edge_index[0]
    dst = edge_index[1]
    loop = jnp.arange(N, dtype=src.dtype)
    src = jnp.concatenate([src, loop])
    dst = jnp.concatenate([dst, loop])
    h = x @ W
    deg = jnp.zeros((N,), dtype=h.dtype).at[dst].add(1.0)
    dinv = 1.0 / jnp.sqrt(deg)
    norm = dinv[src] * dinv[dst]
    msg = h[src] * norm[:, None]
    out = jnp.zeros((N, h.shape[1]), dtype=h.dtype).at[dst].add(msg)
    return out + b


def _batchnorm(x, gamma, beta):
    # BatchNorm1d, training-mode batch statistics (biased variance)
    mean = jnp.mean(x, axis=0)
    var = jnp.mean((x - mean) ** 2, axis=0)
    return (x - mean) / jnp.sqrt(var + EPS) * gamma + beta


def reference(x, edge_index, W0, b0, W1, b1, gamma, beta):
    h = _gcn_conv(x, edge_index, W0, b0)
    h = _batchnorm(h, gamma, beta)
    h = jax.nn.relu(h)
    # dropout p=0.0 -> identity
    h = _gcn_conv(h, edge_index, W1, b1)
    h = _batchnorm(h, gamma, beta)
    h = jax.nn.relu(h)
    return (h, h)

if __name__ == "__main__":
    import jax
    _d = setup_inputs()
    print(jax.jit(kernel)(*tuple(_d.values())))

</pallas_src>

<mosaic_0001>
#map = affine_map<(d0, d1) -> (0, 0, 0)>
#map1 = affine_map<(d0, d1) -> (0, 0)>
module attributes {stable_mosaic.version = 14 : i64} {
  func.func @_sc_degree(%arg0: i32, %arg1: i32, %arg2: memref<32x80x128xi32, #tpu.memory_space<hbm>>, %arg3: memref<128x16xf32, #tpu.memory_space<hbm>>, %arg4: memref<10112x16xf32, #tpu.memory_space<hbm>>, %arg5: memref<2x10112x16xf32, #tpu.memory_space<hbm>>, %arg6: memref<80x128xi32, #tpu.memory_space<vmem>>, %arg7: memref<128x16xf32, #tpu.memory_space<vmem>>, %arg8: memref<10112x16xf32, #tpu.memory_space<vmem_shared>>, %arg9: memref<!tpu.dma_semaphore, #tpu.memory_space<semaphore_mem>>) attributes {dimension_semantics = [#tpu.dimension_semantics<core_parallel>, #tpu.dimension_semantics<subcore_parallel>], iteration_bounds = array<i64: 2, 16>, scalar_prefetch = 0 : i64, scratch_operands = 4 : i64, tpu.core_type = #tpu.core_type<sc_vector_subcore>, window_params = [{transform_indices = #map}, {transform_indices = #map1}, {transform_indices = #map1}, {transform_indices = #map}]} {
    %mul3A = arith.constant 2 : i32
    %mul3A_0 = arith.muli %arg1, %mul3A : i32
    %add3A = arith.addi %mul3A_0, %arg0 : i32
    %dma_start3A = arith.constant 0 : i32
    %dma_start3A_1 = arith.constant 0 : i32
    %dma_start3A_2 = tpu.memref_slice %arg2[%add3A, %dma_start3A, %dma_start3A_1] : memref<32x80x128xi32, #tpu.memory_space<hbm>> -> memref<1x80x128xi32, #tpu.memory_space<hbm>>
    %dma_start3A_3 = tpu.memref_squeeze %dma_start3A_2 : memref<1x80x128xi32, #tpu.memory_space<hbm>> -> memref<80x128xi32, #tpu.memory_space<hbm>>
    %dma_start3A_4 = arith.constant 0 : i32
    %dma_start3A_5 = arith.constant 0 : i32
    %dma_start3A_6 = tpu.memref_slice %arg2[%add3A, %dma_start3A_4, %dma_start3A_5] : memref<32x80x128xi32, #tpu.memory_space<hbm>> -> memref<1x80x128xi32, #tpu.memory_space<hbm>>
    %dma_start3A_7 = tpu.memref_squeeze %dma_start3A_6 : memref<1x80x128xi32, #tpu.memory_space<hbm>> -> memref<80x128xi32, #tpu.memory_space<hbm>>
    tpu.enqueue_dma source(%dma_start3A_7 : memref<80x128xi32, #tpu.memory_space<hbm>>) target(%arg6 : memref<80x128xi32, #tpu.memory_space<vmem>>) target_semaphore(%arg9 : memref<!tpu.dma_semaphore, #tpu.memory_space<semaphore_mem>>)
    tpu.enqueue_dma source(%arg3 : memref<128x16xf32, #tpu.memory_space<hbm>>) target(%arg7 : memref<128x16xf32, #tpu.memory_space<vmem>>) target_semaphore(%arg9 : memref<!tpu.dma_semaphore, #tpu.memory_space<semaphore_mem>>)
    %mul3A_8 = arith.constant 632 : i32
    %mul3A_9 = arith.muli %arg1, %mul3A_8 : i32
    %mul3A_10 = arith.constant 632 : i32
    %mul3A_11 = arith.muli %arg1, %mul3A_10 : i32
    "tpu.region"() ({
      %run_scoped3A = tpu.sem_alloc : memref<!tpu.dma_semaphore, #tpu.memory_space<semaphore_mem>>
      %dma_start3A_35 = arith.constant 0 : i32
      %dma_start3A_36 = tpu.memref_slice %arg8[%mul3A_11, %dma_start3A_35] : memref<10112x16xf32, #tpu.memory_space<vmem_shared>> -> memref<632x16xf32, #tpu.memory_space<vmem_shared>>
      %dma_start3A_37 = arith.constant 0 : i32
      %dma_start3A_38 = tpu.memref_slice %arg4[%mul3A_9, %dma_start3A_37] : memref<10112x16xf32, #tpu.memory_space<hbm>> -> memref<632x16xf32, #tpu.memory_space<hbm>>
      tpu.enqueue_dma source(%dma_start3A_38 : memref<632x16xf32, #tpu.memory_space<hbm>>) target(%dma_start3A_36 : memref<632x16xf32, #tpu.memory_space<vmem_shared>>) target_semaphore(%run_scoped3A : memref<!tpu.dma_semaphore, #tpu.memory_space<semaphore_mem>>)
      %dma_wait3A_39 = arith.constant 0 : i32
      %dma_wait3A_40 = tpu.memref_slice %arg8[%mul3A_11, %dma_wait3A_39] : memref<10112x16xf32, #tpu.memory_space<vmem_shared>> -> memref<632x16xf32, #tpu.memory_space<vmem_shared>>
      %dma_wait3A_41 = arith.constant 0 : i32
      %dma_wait3A_42 = tpu.memref_slice %arg4[%mul3A_9, %dma_wait3A_41] : memref<10112x16xf32, #tpu.memory_space<hbm>> -> memref<632x16xf32, #tpu.memory_space<hbm>>
      tpu.wait_dma2 semaphore(%run_scoped3A : memref<!tpu.dma_semaphore, #tpu.memory_space<semaphore_mem>>) src(%dma_wait3A_42 : memref<632x16xf32, #tpu.memory_space<hbm>>) dst(%dma_wait3A_40 : memref<632x16xf32, #tpu.memory_space<vmem_shared>>)
      tpu.yield
    }) : () -> ()
    %dma_wait3A = arith.constant 0 : i32
    %dma_wait3A_12 = arith.constant 0 : i32
    %dma_wait3A_13 = tpu.memref_slice %arg2[%add3A, %dma_wait3A, %dma_wait3A_12] : memref<32x80x128xi32, #tpu.memory_space<hbm>> -> memref<1x80x128xi32, #tpu.memory_space<hbm>>
    %dma_wait3A_14 = tpu.memref_squeeze %dma_wait3A_13 : memref<1x80x128xi32, #tpu.memory_space<hbm>> -> memref<80x128xi32, #tpu.memory_space<hbm>>
    %dma_wait3A_15 = arith.constant 0 : i32
    %dma_wait3A_16 = arith.constant 0 : i32
    %dma_wait3A_17 = tpu.memref_slice %arg2[%add3A, %dma_wait3A_15, %dma_wait3A_16] : memref<32x80x128xi32, #tpu.memory_space<hbm>> -> memref<1x80x128xi32, #tpu.memory_space<hbm>>
    %dma_wait3A_18 = tpu.memref_squeeze %dma_wait3A_17 : memref<1x80x128xi32, #tpu.memory_space<hbm>> -> memref<80x128xi32, #tpu.memory_space<hbm>>
    tpu.wait_dma2 semaphore(%arg9 : memref<!tpu.dma_semaphore, #tpu.memory_space<semaphore_mem>>) src(%dma_wait3A_18 : memref<80x128xi32, #tpu.memory_space<hbm>>) dst(%arg6 : memref<80x128xi32, #tpu.memory_space<vmem>>)
    tpu.wait_dma2 semaphore(%arg9 : memref<!tpu.dma_semaphore, #tpu.memory_space<semaphore_mem>>) src(%arg3 : memref<128x16xf32, #tpu.memory_space<hbm>>) dst(%arg7 : memref<128x16xf32, #tpu.memory_space<vmem>>)
    %barrier3A = arith.constant 0 : index
    tpu.barrier barrier_id(%barrier3A)
    %scan3A = arith.constant 0 : i32
    %scan3A_19 = arith.constant 0 : i32
    %scan3A_20 = arith.constant 80 : i32
    %scan3A_21 = arith.addi %scan3A_19, %scan3A_20 : i32
    %scan3A_22 = arith.constant 1 : i32
    scf.for %scan3A_35 = %scan3A_19 to %scan3A_21 step %scan3A_22  : i32 {
      %dma_start3A_36 = arith.constant 0 : i32
      %dma_start3A_37 = tpu.memref_slice %arg6[%scan3A_35, %dma_start3A_36] : memref<80x128xi32, #tpu.memory_space<vmem>> -> memref<1x128xi32, #tpu.memory_space<vmem>>
      %dma_start3A_38 = tpu.memref_squeeze %dma_start3A_37 : memref<1x128xi32, #tpu.memory_space<vmem>> -> memref<128xi32, #tpu.memory_space<vmem>>
      %dma_start3A_39 = arith.constant 0 : i32
      %dma_start3A_40 = arith.constant 0 : i32
      %dma_start3A_41 = tpu.memref_slice %arg8[%dma_start3A_39, %dma_start3A_40] : memref<10112x16xf32, #tpu.memory_space<vmem_shared>> -> memref<10112x16xf32, #tpu.memory_space<vmem_shared>>
      tpu.enqueue_indirect_dma source(%arg7 : memref<128x16xf32, #tpu.memory_space<vmem>>) target(%dma_start3A_41 : memref<10112x16xf32, #tpu.memory_space<vmem_shared>>) offsets(%dma_start3A_38 : memref<128xi32, #tpu.memory_space<vmem>>) semaphore(%arg9 : memref<!tpu.dma_semaphore, #tpu.memory_space<semaphore_mem>>) {add = true}
    }
    %scan3A_23 = arith.constant 80 : i32
    %scan3A_24 = arith.constant 0 : i32
    %scan3A_25 = arith.constant 0 : i32
    %scan3A_26 = arith.constant 80 : i32
    %scan3A_27 = arith.addi %scan3A_25, %scan3A_26 : i32
    %scan3A_28 = arith.constant 1 : i32
    scf.for %scan3A_35 = %scan3A_25 to %scan3A_27 step %scan3A_28  : i32 {
      %dma_wait3A_36 = arith.constant 0 : i32
      %dma_wait3A_37 = tpu.memref_slice %arg6[%scan3A_35, %dma_wait3A_36] : memref<80x128xi32, #tpu.memory_space<vmem>> -> memref<1x128xi32, #tpu.memory_space<vmem>>
      %dma_wait3A_38 = tpu.memref_squeeze %dma_wait3A_37 : memref<1x128xi32, #tpu.memory_space<vmem>> -> memref<128xi32, #tpu.memory_space<vmem>>
      %dma_wait3A_39 = arith.constant 0 : i32
      %dma_wait3A_40 = arith.constant 0 : i32
      %dma_wait3A_41 = tpu.memref_slice %arg8[%dma_wait3A_39, %dma_wait3A_40] : memref<10112x16xf32, #tpu.memory_space<vmem_shared>> -> memref<10112x16xf32, #tpu.memory_space<vmem_shared>>
      tpu.wait_indirect_dma semaphore(%arg9 : memref<!tpu.dma_semaphore, #tpu.memory_space<semaphore_mem>>) src(%arg7 : memref<128x16xf32, #tpu.memory_space<vmem>>) dst(%dma_wait3A_41 : memref<10112x16xf32, #tpu.memory_space<vmem_shared>>)
    }
    %scan3A_29 = arith.constant 80 : i32
    %barrier3A_30 = arith.constant 0 : index
    tpu.barrier barrier_id(%barrier3A_30)
    %mul3A_31 = arith.constant 632 : i32
    %mul3A_32 = arith.muli %arg1, %mul3A_31 : i32
    %mul3A_33 = arith.constant 632 : i32
    %mul3A_34 = arith.muli %arg1, %mul3A_33 : i32
    "tpu.region"() ({
      %run_scoped3A = tpu.sem_alloc : memref<!tpu.dma_semaphore, #tpu.memory_space<semaphore_mem>>
      %dma_start3A_35 = arith.constant 0 : i32
      %dma_start3A_36 = tpu.memref_slice %arg5[%arg0, %mul3A_34, %dma_start3A_35] : memref<2x10112x16xf32, #tpu.memory_space<hbm>> -> memref<1x632x16xf32, #tpu.memory_space<hbm>>
      %dma_start3A_37 = tpu.memref_squeeze %dma_start3A_36 : memref<1x632x16xf32, #tpu.memory_space<hbm>> -> memref<632x16xf32, #tpu.memory_space<hbm>>
      %dma_start3A_38 = arith.constant 0 : i32
      %dma_start3A_39 = tpu.memref_slice %arg8[%mul3A_32, %dma_start3A_38] : memref<10112x16xf32, #tpu.memory_space<vmem_shared>> -> memref<632x16xf32, #tpu.memory_space<vmem_shared>>
      tpu.enqueue_dma source(%dma_start3A_39 : memref<632x16xf32, #tpu.memory_space<vmem_shared>>) target(%dma_start3A_37 : memref<632x16xf32, #tpu.memory_space<hbm>>) target_semaphore(%run_scoped3A : memref<!tpu.dma_semaphore, #tpu.memory_space<semaphore_mem>>)
      %dma_wait3A_40 = arith.constant 0 : i32
      %dma_wait3A_41 = tpu.memref_slice %arg5[%arg0, %mul3A_34, %dma_wait3A_40] : memref<2x10112x16xf32, #tpu.memory_space<hbm>> -> memref<1x632x16xf32, #tpu.memory_space<hbm>>
      %dma_wait3A_42 = tpu.memref_squeeze %dma_wait3A_41 : memref<1x632x16xf32, #tpu.memory_space<hbm>> -> memref<632x16xf32, #tpu.memory_space<hbm>>
      %dma_wait3A_43 = arith.constant 0 : i32
      %dma_wait3A_44 = tpu.memref_slice %arg8[%mul3A_32, %dma_wait3A_43] : memref<10112x16xf32, #tpu.memory_space<vmem_shared>> -> memref<632x16xf32, #tpu.memory_space<vmem_shared>>
      tpu.wait_dma2 semaphore(%run_scoped3A : memref<!tpu.dma_semaphore, #tpu.memory_space<semaphore_mem>>) src(%dma_wait3A_44 : memref<632x16xf32, #tpu.memory_space<vmem_shared>>) dst(%dma_wait3A_42 : memref<632x16xf32, #tpu.memory_space<hbm>>)
      tpu.yield
    }) : () -> ()
    return
  }
}

#map = affine_map<(d0, d1) -> (0, 0)>
#map1 = affine_map<(d0, d1) -> (0, 0, 0)>
module attributes {stable_mosaic.version = 14 : i64} {
  func.func @_sc_scatter(%arg0: i32, %arg1: i32, %arg2: memref<10000x64xf32, #tpu.memory_space<hbm>>, %arg3: memref<32x81x128xi32, #tpu.memory_space<hbm>>, %arg4: memref<32x80x128xi32, #tpu.memory_space<hbm>>, %arg5: memref<1x128xi32, #tpu.memory_space<hbm>>, %arg6: memref<10112x64xf32, #tpu.memory_space<hbm>>, %arg7: memref<2x10112x64xf32, #tpu.memory_space<hbm>>, %arg8: memref<81x128xi32, #tpu.memory_space<vmem>>, %arg9: memref<80x128xi32, #tpu.memory_space<vmem>>, %arg10: memref<1x128xi32, #tpu.memory_space<vmem>>, %arg11: memref<128x64xf32, #tpu.memory_space<vmem>>, %arg12: memref<128x64xf32, #tpu.memory_space<vmem>>, %arg13: memref<10000x64xf32, #tpu.memory_space<vmem_shared>>, %arg14: memref<10112x64xf32, #tpu.memory_space<vmem_shared>>, %arg15: memref<!tpu.dma_semaphore, #tpu.memory_space<semaphore_mem>>, %arg16: memref<!tpu.dma_semaphore, #tpu.memory_space<semaphore_mem>>, %arg17: memref<!tpu.dma_semaphore, #tpu.memory_space<semaphore_mem>>, %arg18: memref<!tpu.dma_semaphore, #tpu.memory_space<semaphore_mem>>) attributes {dimension_semantics = [#tpu.dimension_semantics<core_parallel>, #tpu.dimension_semantics<subcore_parallel>], iteration_bounds = array<i64: 2, 16>, scalar_prefetch = 0 : i64, scratch_operands = 11 : i64, tpu.core_type = #tpu.core_type<sc_vector_subcore>, window_params = [{transform_indices = #map}, {transform_indices = #map1}, {transform_indices = #map1}, {transform_indices = #map}, {transform_indices = #map}, {transform_indices = #map1}]} {
    %mul3A = arith.constant 2 : i32
    %mul3A_0 = arith.muli %arg1, %mul3A : i32
    %add3A = arith.addi %mul3A_0, %arg0 : i32
    %dma_start3A = arith.constant 0 : i32
    %dma_start3A_1 = arith.constant 0 : i32
    %dma_start3A_2 = tpu.memref_slice %arg3[%add3A, %dma_start3A, %dma_start3A_1] : memref<32x81x128xi32, #tpu.memory_space<hbm>> -> memref<1x81x128xi32, #tpu.memory_space<hbm>>
    %dma_start3A_3 = tpu.memref_squeeze %dma_start3A_2 : memref<1x81x128xi32, #tpu.memory_space<hbm>> -> memref<81x128xi32, #tpu.memory_space<hbm>>
    %dma_start3A_4 = arith.constant 0 : i32
    %dma_start3A_5 = arith.constant 0 : i32
    %dma_start3A_6 = tpu.memref_slice %arg3[%add3A, %dma_start3A_4, %dma_start3A_5] : memref<32x81x128xi32, #tpu.memory_space<hbm>> -> memref<1x81x128xi32, #tpu.memory_space<hbm>>
    %dma_start3A_7 = tpu.memref_squeeze %dma_start3A_6 : memref<1x81x128xi32, #tpu.memory_space<hbm>> -> memref<81x128xi32, #tpu.memory_space<hbm>>
    tpu.enqueue_dma source(%dma_start3A_7 : memref<81x128xi32, #tpu.memory_space<hbm>>) target(%arg8 : memref<81x128xi32, #tpu.memory_space<vmem>>) target_semaphore(%arg15 : memref<!tpu.dma_semaphore, #tpu.memory_space<semaphore_mem>>)
    %dma_start3A_8 = arith.constant 0 : i32
    %dma_start3A_9 = arith.constant 0 : i32
    %dma_start3A_10 = tpu.memref_slice %arg4[%add3A, %dma_start3A_8, %dma_start3A_9] : memref<32x80x128xi32, #tpu.memory_space<hbm>> -> memref<1x80x128xi32, #tpu.memory_space<hbm>>
    %dma_start3A_11 = tpu.memref_squeeze %dma_start3A_10 : memref<1x80x128xi32, #tpu.memory_space<hbm>> -> memref<80x128xi32, #tpu.memory_space<hbm>>
    %dma_start3A_12 = arith.constant 0 : i32
    %dma_start3A_13 = arith.constant 0 : i32
    %dma_start3A_14 = tpu.memref_slice %arg4[%add3A, %dma_start3A_12, %dma_start3A_13] : memref<32x80x128xi32, #tpu.memory_space<hbm>> -> memref<1x80x128xi32, #tpu.memory_space<hbm>>
    %dma_start3A_15 = tpu.memref_squeeze %dma_start3A_14 : memref<1x80x128xi32, #tpu.memory_space<hbm>> -> memref<80x128xi32, #tpu.memory_space<hbm>>
    tpu.enqueue_dma source(%dma_start3A_15 : memref<80x128xi32, #tpu.memory_space<hbm>>) target(%arg9 : memref<80x128xi32, #tpu.memory_space<vmem>>) target_semaphore(%arg16 : memref<!tpu.dma_semaphore, #tpu.memory_space<semaphore_mem>>)
    tpu.enqueue_dma source(%arg5 : memref<1x128xi32, #tpu.memory_space<hbm>>) target(%arg10 : memref<1x128xi32, #tpu.memory_space<vmem>>) target_semaphore(%arg17 : memref<!tpu.dma_semaphore, #tpu.memory_space<semaphore_mem>>)
    %mul3A_16 = arith.constant 625 : i32
    %mul3A_17 = arith.muli %arg1, %mul3A_16 : i32
    %mul3A_18 = arith.constant 625 : i32
    %mul3A_19 = arith.muli %arg1, %mul3A_18 : i32
    %dma_start3A_20 = arith.constant 0 : i32
    %dma_start3A_21 = tpu.memref_slice %arg13[%mul3A_19, %dma_start3A_20] : memref<10000x64xf32, #tpu.memory_space<vmem_shared>> -> memref<625x64xf32, #tpu.memory_space<vmem_shared>>
    %dma_start3A_22 = arith.constant 0 : i32
    %dma_start3A_23 = tpu.memref_slice %arg2[%mul3A_17, %dma_start3A_22] : memref<10000x64xf32, #tpu.memory_space<hbm>> -> memref<625x64xf32, #tpu.memory_space<hbm>>
    tpu.enqueue_dma source(%dma_start3A_23 : memref<625x64xf32, #tpu.memory_space<hbm>>) target(%dma_start3A_21 : memref<625x64xf32, #tpu.memory_space<vmem_shared>>) target_semaphore(%arg18 : memref<!tpu.dma_semaphore, #tpu.memory_space<semaphore_mem>>)
    %mul3A_24 = arith.constant 632 : i32
    %mul3A_25 = arith.muli %arg1, %mul3A_24 : i32
    %mul3A_26 = arith.constant 632 : i32
    %mul3A_27 = arith.muli %arg1, %mul3A_26 : i32
    "tpu.region"() ({
      %run_scoped3A = tpu.sem_alloc : memref<!tpu.dma_semaphore, #tpu.memory_space<semaphore_mem>>
      %dma_start3A_89 = arith.constant 0 : i32
      %dma_start3A_90 = tpu.memref_slice %arg14[%mul3A_27, %dma_start3A_89] : memref<10112x64xf32, #tpu.memory_space<vmem_shared>> -> memref<632x64xf32, #tpu.memory_space<vmem_shared>>
      %dma_start3A_91 = arith.constant 0 : i32
      %dma_start3A_92 = tpu.memref_slice %arg6[%mul3A_25, %dma_start3A_91] : memref<10112x64xf32, #tpu.memory_space<hbm>> -> memref<632x64xf32, #tpu.memory_space<hbm>>
      tpu.enqueue_dma source(%dma_start3A_92 : memref<632x64xf32, #tpu.memory_space<hbm>>) target(%dma_start3A_90 : memref<632x64xf32, #tpu.memory_space<vmem_shared>>) target_semaphore(%run_scoped3A : memref<!tpu.dma_semaphore, #tpu.memory_space<semaphore_mem>>)
      %dma_wait3A_93 = arith.constant 0 : i32
      %dma_wait3A_94 = tpu.memref_slice %arg14[%mul3A_27, %dma_wait3A_93] : memref<10112x64xf32, #tpu.memory_space<vmem_shared>> -> memref<632x64xf32, #tpu.memory_space<vmem_shared>>
      %dma_wait3A_95 = arith.constant 0 : i32
      %dma_wait3A_96 = tpu.memref_slice %arg6[%mul3A_25, %dma_wait3A_95] : memref<10112x64xf32, #tpu.memory_space<hbm>> -> memref<632x64xf32, #tpu.memory_space<hbm>>
      tpu.wait_dma2 semaphore(%run_scoped3A : memref<!tpu.dma_semaphore, #tpu.memory_space<semaphore_mem>>) src(%dma_wait3A_96 : memref<632x64xf32, #tpu.memory_space<hbm>>) dst(%dma_wait3A_94 : memref<632x64xf32, #tpu.memory_space<vmem_shared>>)
      tpu.yield
    }) : () -> ()
    %dma_wait3A = arith.constant 0 : i32
    %dma_wait3A_28 = arith.constant 0 : i32
    %dma_wait3A_29 = tpu.memref_slice %arg3[%add3A, %dma_wait3A, %dma_wait3A_28] : memref<32x81x128xi32, #tpu.memory_space<hbm>> -> memref<1x81x128xi32, #tpu.memory_space<hbm>>
    %dma_wait3A_30 = tpu.memref_squeeze %dma_wait3A_29 : memref<1x81x128xi32, #tpu.memory_space<hbm>> -> memref<81x128xi32, #tpu.memory_space<hbm>>
    %dma_wait3A_31 = arith.constant 0 : i32
    %dma_wait3A_32 = arith.constant 0 : i32
    %dma_wait3A_33 = tpu.memref_slice %arg3[%add3A, %dma_wait3A_31, %dma_wait3A_32] : memref<32x81x128xi32, #tpu.memory_space<hbm>> -> memref<1x81x128xi32, #tpu.memory_space<hbm>>
    %dma_wait3A_34 = tpu.memref_squeeze %dma_wait3A_33 : memref<1x81x128xi32, #tpu.memory_space<hbm>> -> memref<81x128xi32, #tpu.memory_space<hbm>>
    tpu.wait_dma2 semaphore(%arg15 : memref<!tpu.dma_semaphore, #tpu.memory_space<semaphore_mem>>) src(%dma_wait3A_34 : memref<81x128xi32, #tpu.memory_space<hbm>>) dst(%arg8 : memref<81x128xi32, #tpu.memory_space<vmem>>)
    %dma_wait3A_35 = arith.constant 0 : i32
    %dma_wait3A_36 = arith.constant 0 : i32
    %dma_wait3A_37 = tpu.memref_slice %arg4[%add3A, %dma_wait3A_35, %dma_wait3A_36] : memref<32x80x128xi32, #tpu.memory_space<hbm>> -> memref<1x80x128xi32, #tpu.memory_space<hbm>>
    %dma_wait3A_38 = tpu.memref_squeeze %dma_wait3A_37 : memref<1x80x128xi32, #tpu.memory_space<hbm>> -> memref<80x128xi32, #tpu.memory_space<hbm>>
    %dma_wait3A_39 = arith.constant 0 : i32
    %dma_wait3A_40 = arith.constant 0 : i32
    %dma_wait3A_41 = tpu.memref_slice %arg4[%add3A, %dma_wait3A_39, %dma_wait3A_40] : memref<32x80x128xi32, #tpu.memory_space<hbm>> -> memref<1x80x128xi32, #tpu.memory_space<hbm>>
    %dma_wait3A_42 = tpu.memref_squeeze %dma_wait3A_41 : memref<1x80x128xi32, #tpu.memory_space<hbm>> -> memref<80x128xi32, #tpu.memory_space<hbm>>
    tpu.wait_dma2 semaphore(%arg16 : memref<!tpu.dma_semaphore, #tpu.memory_space<semaphore_mem>>) src(%dma_wait3A_42 : memref<80x128xi32, #tpu.memory_space<hbm>>) dst(%arg9 : memref<80x128xi32, #tpu.memory_space<vmem>>)
    tpu.wait_dma2 semaphore(%arg17 : memref<!tpu.dma_semaphore, #tpu.memory_space<semaphore_mem>>) src(%arg5 : memref<1x128xi32, #tpu.memory_space<hbm>>) dst(%arg10 : memref<1x128xi32, #tpu.memory_space<vmem>>)
    %mul3A_43 = arith.constant 625 : i32
    %mul3A_44 = arith.muli %arg1, %mul3A_43 : i32
    %mul3A_45 = arith.constant 625 : i32
    %mul3A_46 = arith.muli %arg1, %mul3A_45 : i32
    %dma_wait3A_47 = arith.constant 0 : i32
    %dma_wait3A_48 = tpu.memref_slice %arg13[%mul3A_46, %dma_wait3A_47] : memref<10000x64xf32, #tpu.memory_space<vmem_shared>> -> memref<625x64xf32, #tpu.memory_space<vmem_shared>>
    %dma_wait3A_49 = arith.constant 0 : i32
    %dma_wait3A_50 = tpu.memref_slice %arg2[%mul3A_44, %dma_wait3A_49] : memref<10000x64xf32, #tpu.memory_space<hbm>> -> memref<625x64xf32, #tpu.memory_space<hbm>>
    tpu.wait_dma2 semaphore(%arg18 : memref<!tpu.dma_semaphore, #tpu.memory_space<semaphore_mem>>) src(%dma_wait3A_50 : memref<625x64xf32, #tpu.memory_space<hbm>>) dst(%dma_wait3A_48 : memref<625x64xf32, #tpu.memory_space<vmem_shared>>)
    %barrier3A = arith.constant 0 : index
    tpu.barrier barrier_id(%barrier3A)
    %dma_start3A_51 = arith.constant 0 : i32
    %dma_start3A_52 = arith.constant 0 : i32
    %dma_start3A_53 = tpu.memref_slice %arg8[%dma_start3A_51, %dma_start3A_52] : memref<81x128xi32, #tpu.memory_space<vmem>> -> memref<1x128xi32, #tpu.memory_space<vmem>>
    %dma_start3A_54 = tpu.memref_squeeze %dma_start3A_53 : memref<1x128xi32, #tpu.memory_space<vmem>> -> memref<128xi32, #tpu.memory_space<vmem>>
    %dma_start3A_55 = arith.constant 0 : i32
    %dma_start3A_56 = arith.constant 0 : i32
    %dma_start3A_57 = tpu.memref_slice %arg13[%dma_start3A_55, %dma_start3A_56] : memref<10000x64xf32, #tpu.memory_space<vmem_shared>> -> memref<10000x64xf32, #tpu.memory_space<vmem_shared>>
    tpu.enqueue_indirect_dma source(%dma_start3A_57 : memref<10000x64xf32, #tpu.memory_space<vmem_shared>>) target(%arg11 : memref<128x64xf32, #tpu.memory_space<vmem>>) offsets(%dma_start3A_54 : memref<128xi32, #tpu.memory_space<vmem>>) semaphore(%arg15 : memref<!tpu.dma_semaphore, #tpu.memory_space<semaphore_mem>>)
    %dma_start3A_58 = arith.constant 0 : i32
    %dma_start3A_59 = arith.constant 0 : i32
    %dma_start3A_60 = tpu.memref_slice %arg10[%dma_start3A_58, %dma_start3A_59] : memref<1x128xi32, #tpu.memory_space<vmem>> -> memref<1x128xi32, #tpu.memory_space<vmem>>
    %dma_start3A_61 = tpu.memref_squeeze %dma_start3A_60 : memref<1x128xi32, #tpu.memory_space<vmem>> -> memref<128xi32, #tpu.memory_space<vmem>>
    %dma_start3A_62 = arith.constant 0 : i32
    %dma_start3A_63 = arith.constant 0 : i32
    %dma_start3A_64 = tpu.memref_slice %arg14[%dma_start3A_62, %dma_start3A_63] : memref<10112x64xf32, #tpu.memory_space<vmem_shared>> -> memref<10112x64xf32, #tpu.memory_space<vmem_shared>>
    tpu.enqueue_indirect_dma source(%arg12 : memref<128x64xf32, #tpu.memory_space<vmem>>) target(%dma_start3A_64 : memref<10112x64xf32, #tpu.memory_space<vmem_shared>>) offsets(%dma_start3A_61 : memref<128xi32, #tpu.memory_space<vmem>>) semaphore(%arg18 : memref<!tpu.dma_semaphore, #tpu.memory_space<semaphore_mem>>) {add = true}
    %scan3A = arith.constant 0 : i32
    %scan3A_65 = arith.constant 0 : i32
    %scan3A_66 = arith.constant 40 : i32
    %scan3A_67 = arith.addi %scan3A_65, %scan3A_66 : i32
    %scan3A_68 = arith.constant 1 : i32
    scf.for %scan3A_89 = %scan3A_65 to %scan3A_67 step %scan3A_68  : i32 {
      %mul3A_90 = arith.constant 2 : i32
      %mul3A_91 = arith.muli %mul3A_90, %scan3A_89 : i32
      %dma_wait3A_92 = arith.constant 0 : i32
      %dma_wait3A_93 = arith.constant 0 : i32
      %dma_wait3A_94 = tpu.memref_slice %arg10[%dma_wait3A_92, %dma_wait3A_93] : memref<1x128xi32, #tpu.memory_space<vmem>> -> memref<1x128xi32, #tpu.memory_space<vmem>>
      %dma_wait3A_95 = tpu.memref_squeeze %dma_wait3A_94 : memref<1x128xi32, #tpu.memory_space<vmem>> -> memref<128xi32, #tpu.memory_space<vmem>>
      %dma_wait3A_96 = arith.constant 0 : i32
      %dma_wait3A_97 = arith.constant 0 : i32
      %dma_wait3A_98 = tpu.memref_slice %arg14[%dma_wait3A_96, %dma_wait3A_97] : memref<10112x64xf32, #tpu.memory_space<vmem_shared>> -> memref<10112x64xf32, #tpu.memory_space<vmem_shared>>
      tpu.wait_indirect_dma semaphore(%arg18 : memref<!tpu.dma_semaphore, #tpu.memory_space<semaphore_mem>>) src(%arg12 : memref<128x64xf32, #tpu.memory_space<vmem>>) dst(%dma_wait3A_98 : memref<10112x64xf32, #tpu.memory_space<vmem_shared>>)
      %dma_wait3A_99 = arith.constant 0 : i32
      %dma_wait3A_100 = tpu.memref_slice %arg8[%mul3A_91, %dma_wait3A_99] : memref<81x128xi32, #tpu.memory_space<vmem>> -> memref<1x128xi32, #tpu.memory_space<vmem>>
      %dma_wait3A_101 = tpu.memref_squeeze %dma_wait3A_100 : memref<1x128xi32, #tpu.memory_space<vmem>> -> memref<128xi32, #tpu.memory_space<vmem>>
      %dma_wait3A_102 = arith.constant 0 : i32
      %dma_wait3A_103 = arith.constant 0 : i32
      %dma_wait3A_104 = tpu.memref_slice %arg13[%dma_wait3A_102, %dma_wait3A_103] : memref<10000x64xf32, #tpu.memory_space<vmem_shared>> -> memref<10000x64xf32, #tpu.memory_space<vmem_shared>>
      tpu.wait_indirect_dma semaphore(%arg15 : memref<!tpu.dma_semaphore, #tpu.memory_space<semaphore_mem>>) src(%dma_wait3A_104 : memref<10000x64xf32, #tpu.memory_space<vmem_shared>>) dst(%arg11 : memref<128x64xf32, #tpu.memory_space<vmem>>)
      %add3A_105 = arith.constant 1 : i32
      %add3A_106 = arith.addi %mul3A_91, %add3A_105 : i32
      %dma_start3A_107 = arith.constant 0 : i32
      %dma_start3A_108 = tpu.memref_slice %arg8[%add3A_106, %dma_start3A_107] : memref<81x128xi32, #tpu.memory_space<vmem>> -> memref<1x128xi32, #tpu.memory_space<vmem>>
      %dma_start3A_109 = tpu.memref_squeeze %dma_start3A_108 : memref<1x128xi32, #tpu.memory_space<vmem>> -> memref<128xi32, #tpu.memory_space<vmem>>
      %dma_start3A_110 = arith.constant 0 : i32
      %dma_start3A_111 = arith.constant 0 : i32
      %dma_start3A_112 = tpu.memref_slice %arg13[%dma_start3A_110, %dma_start3A_111] : memref<10000x64xf32, #tpu.memory_space<vmem_shared>> -> memref<10000x64xf32, #tpu.memory_space<vmem_shared>>
      tpu.enqueue_indirect_dma source(%dma_start3A_112 : memref<10000x64xf32, #tpu.memory_space<vmem_shared>>) target(%arg12 : memref<128x64xf32, #tpu.memory_space<vmem>>) offsets(%dma_start3A_109 : memref<128xi32, #tpu.memory_space<vmem>>) semaphore(%arg16 : memref<!tpu.dma_semaphore, #tpu.memory_space<semaphore_mem>>)
      %dma_start3A_113 = arith.constant 0 : i32
      %dma_start3A_114 = tpu.memref_slice %arg9[%mul3A_91, %dma_start3A_113] : memref<80x128xi32, #tpu.memory_space<vmem>> -> memref<1x128xi32, #tpu.memory_space<vmem>>
      %dma_start3A_115 = tpu.memref_squeeze %dma_start3A_114 : memref<1x128xi32, #tpu.memory_space<vmem>> -> memref<128xi32, #tpu.memory_space<vmem>>
      %dma_start3A_116 = arith.constant 0 : i32
      %dma_start3A_117 = arith.constant 0 : i32
      %dma_start3A_118 = tpu.memref_slice %arg14[%dma_start3A_116, %dma_start3A_117] : memref<10112x64xf32, #tpu.memory_space<vmem_shared>> -> memref<10112x64xf32, #tpu.memory_space<vmem_shared>>
      tpu.enqueue_indirect_dma source(%arg11 : memref<128x64xf32, #tpu.memory_space<vmem>>) target(%dma_start3A_118 : memref<10112x64xf32, #tpu.memory_space<vmem_shared>>) offsets(%dma_start3A_115 : memref<128xi32, #tpu.memory_space<vmem>>) semaphore(%arg17 : memref<!tpu.dma_semaphore, #tpu.memory_space<semaphore_mem>>) {add = true}
      %dma_wait3A_119 = arith.constant 0 : i32
      %dma_wait3A_120 = arith.constant 0 : i32
      %dma_wait3A_121 = tpu.memref_slice %arg10[%dma_wait3A_119, %dma_wait3A_120] : memref<1x128xi32, #tpu.memory_space<vmem>> -> memref<1x128xi32, #tpu.memory_space<vmem>>
      %dma_wait3A_122 = tpu.memref_squeeze %dma_wait3A_121 : memref<1x128xi32, #tpu.memory_space<vmem>> -> memref<128xi32, #tpu.memory_space<vmem>>
      %dma_wait3A_123 = arith.constant 0 : i32
      %dma_wait3A_124 = arith.constant 0 : i32
      %dma_wait3A_125 = tpu.memref_slice %arg14[%dma_wait3A_123, %dma_wait3A_124] : memref<10112x64xf32, #tpu.memory_space<vmem_shared>> -> memref<10112x64xf32, #tpu.memory_space<vmem_shared>>
      tpu.wait_indirect_dma semaphore(%arg17 : memref<!tpu.dma_semaphore, #tpu.memory_space<semaphore_mem>>) src(%arg11 : memref<128x64xf32, #tpu.memory_space<vmem>>) dst(%dma_wait3A_125 : memref<10112x64xf32, #tpu.memory_space<vmem_shared>>)
      %add3A_126 = arith.constant 1 : i32
      %add3A_127 = arith.addi %mul3A_91, %add3A_126 : i32
      %dma_wait3A_128 = arith.constant 0 : i32
      %dma_wait3A_129 = tpu.memref_slice %arg8[%add3A_127, %dma_wait3A_128] : memref<81x128xi32, #tpu.memory_space<vmem>> -> memref<1x128xi32, #tpu.memory_space<vmem>>
      %dma_wait3A_130 = tpu.memref_squeeze %dma_wait3A_129 : memref<1x128xi32, #tpu.memory_space<vmem>> -> memref<128xi32, #tpu.memory_space<vmem>>
      %dma_wait3A_131 = arith.constant 0 : i32
      %dma_wait3A_132 = arith.constant 0 : i32
      %dma_wait3A_133 = tpu.memref_slice %arg13[%dma_wait3A_131, %dma_wait3A_132] : memref<10000x64xf32, #tpu.memory_space<vmem_shared>> -> memref<10000x64xf32, #tpu.memory_space<vmem_shared>>
      tpu.wait_indirect_dma semaphore(%arg16 : memref<!tpu.dma_semaphore, #tpu.memory_space<semaphore_mem>>) src(%dma_wait3A_133 : memref<10000x64xf32, #tpu.memory_space<vmem_shared>>) dst(%arg12 : memref<128x64xf32, #tpu.memory_space<vmem>>)
      %add3A_134 = arith.constant 2 : i32
      %add3A_135 = arith.addi %mul3A_91, %add3A_134 : i32
      %dma_start3A_136 = arith.constant 0 : i32
      %dma_start3A_137 = tpu.memref_slice %arg8[%add3A_135, %dma_start3A_136] : memref<81x128xi32, #tpu.memory_space<vmem>> -> memref<1x128xi32, #tpu.memory_space<vmem>>
      %dma_start3A_138 = tpu.memref_squeeze %dma_start3A_137 : memref<1x128xi32, #tpu.memory_space<vmem>> -> memref<128xi32, #tpu.memory_space<vmem>>
      %dma_start3A_139 = arith.constant 0 : i32
      %dma_start3A_140 = arith.constant 0 : i32
      %dma_start3A_141 = tpu.memref_slice %arg13[%dma_start3A_139, %dma_start3A_140] : memref<10000x64xf32, #tpu.memory_space<vmem_shared>> -> memref<10000x64xf32, #tpu.memory_space<vmem_shared>>
      tpu.enqueue_indirect_dma source(%dma_start3A_141 : memref<10000x64xf32, #tpu.memory_space<vmem_shared>>) target(%arg11 : memref<128x64xf32, #tpu.memory_space<vmem>>) offsets(%dma_start3A_138 : memref<128xi32, #tpu.memory_space<vmem>>) semaphore(%arg15 : memref<!tpu.dma_semaphore, #tpu.memory_space<semaphore_mem>>)
      %add3A_142 = arith.constant 1 : i32
      %add3A_143 = arith.addi %mul3A_91, %add3A_142 : i32
      %dma_start3A_144 = arith.constant 0 : i32
      %dma_start3A_145 = tpu.memref_slice %arg9[%add3A_143, %dma_start3A_144] : memref<80x128xi32, #tpu.memory_space<vmem>> -> memref<1x128xi32, #tpu.memory_space<vmem>>
      %dma_start3A_146 = tpu.memref_squeeze %dma_start3A_145 : memref<1x128xi32, #tpu.memory_space<vmem>> -> memref<128xi32, #tpu.memory_space<vmem>>
      %dma_start3A_147 = arith.constant 0 : i32
      %dma_start3A_148 = arith.constant 0 : i32
      %dma_start3A_149 = tpu.memref_slice %arg14[%dma_start3A_147, %dma_start3A_148] : memref<10112x64xf32, #tpu.memory_space<vmem_shared>> -> memref<10112x64xf32, #tpu.memory_space<vmem_shared>>
      tpu.enqueue_indirect_dma source(%arg12 : memref<128x64xf32, #tpu.memory_space<vmem>>) target(%dma_start3A_149 : memref<10112x64xf32, #tpu.memory_space<vmem_shared>>) offsets(%dma_start3A_146 : memref<128xi32, #tpu.memory_space<vmem>>) semaphore(%arg18 : memref<!tpu.dma_semaphore, #tpu.memory_space<semaphore_mem>>) {add = true}
    }
    %scan3A_69 = arith.constant 40 : i32
    %dma_wait3A_70 = arith.constant 0 : i32
    %dma_wait3A_71 = arith.constant 0 : i32
    %dma_wait3A_72 = tpu.memref_slice %arg10[%dma_wait3A_70, %dma_wait3A_71] : memref<1x128xi32, #tpu.memory_space<vmem>> -> memref<1x128xi32, #tpu.memory_space<vmem>>
    %dma_wait3A_73 = tpu.memref_squeeze %dma_wait3A_72 : memref<1x128xi32, #tpu.memory_space<vmem>> -> memref<128xi32, #tpu.memory_space<vmem>>
    %dma_wait3A_74 = arith.constant 0 : i32
    %dma_wait3A_75 = arith.constant 0 : i32
    %dma_wait3A_76 = tpu.memref_slice %arg14[%dma_wait3A_74, %dma_wait3A_75] : memref<10112x64xf32, #tpu.memory_space<vmem_shared>> -> memref<10112x64xf32, #tpu.memory_space<vmem_shared>>
    tpu.wait_indirect_dma semaphore(%arg18 : memref<!tpu.dma_semaphore, #tpu.memory_space<semaphore_mem>>) src(%arg12 : memref<128x64xf32, #tpu.memory_space<vmem>>) dst(%dma_wait3A_76 : memref<10112x64xf32, #tpu.memory_space<vmem_shared>>)
    %dma_wait3A_77 = arith.constant 80 : i32
    %dma_wait3A_78 = arith.constant 0 : i32
    %dma_wait3A_79 = tpu.memref_slice %arg8[%dma_wait3A_77, %dma_wait3A_78] : memref<81x128xi32, #tpu.memory_space<vmem>> -> memref<1x128xi32, #tpu.memory_space<vmem>>
    %dma_wait3A_80 = tpu.memref_squeeze %dma_wait3A_79 : memref<1x128xi32, #tpu.memory_space<vmem>> -> memref<128xi32, #tpu.memory_space<vmem>>
    %dma_wait3A_81 = arith.constant 0 : i32
    %dma_wait3A_82 = arith.constant 0 : i32
    %dma_wait3A_83 = tpu.memref_slice %arg13[%dma_wait3A_81, %dma_wait3A_82] : memref<10000x64xf32, #tpu.memory_space<vmem_shared>> -> memref<10000x64xf32, #tpu.memory_space<vmem_shared>>
    tpu.wait_indirect_dma semaphore(%arg15 : memref<!tpu.dma_semaphore, #tpu.memory_space<semaphore_mem>>) src(%dma_wait3A_83 : memref<10000x64xf32, #tpu.memory_space<vmem_shared>>) dst(%arg11 : memref<128x64xf32, #tpu.memory_space<vmem>>)
    %barrier3A_84 = arith.constant 0 : index
    tpu.barrier barrier_id(%barrier3A_84)
    %mul3A_85 = arith.constant 632 : i32
    %mul3A_86 = arith.muli %arg1, %mul3A_85 : i32
    %mul3A_87 = arith.constant 632 : i32
    %mul3A_88 = arith.muli %arg1, %mul3A_87 : i32
    "tpu.region"() ({
      %run_scoped3A = tpu.sem_alloc : memref<!tpu.dma_semaphore, #tpu.memory_space<semaphore_mem>>
      %dma_start3A_89 = arith.constant 0 : i32
      %dma_start3A_90 = tpu.memref_slice %arg7[%arg0, %mul3A_88, %dma_start3A_89] : memref<2x10112x64xf32, #tpu.memory_space<hbm>> -> memref<1x632x64xf32, #tpu.memory_space<hbm>>
      %dma_start3A_91 = tpu.memref_squeeze %dma_start3A_90 : memref<1x632x64xf32, #tpu.memory_space<hbm>> -> memref<632x64xf32, #tpu.memory_space<hbm>>
      %dma_start3A_92 = arith.constant 0 : i32
      %dma_start3A_93 = tpu.memref_slice %arg14[%mul3A_86, %dma_start3A_92] : memref<10112x64xf32, #tpu.memory_space<vmem_shared>> -> memref<632x64xf32, #tpu.memory_space<vmem_shared>>
      tpu.enqueue_dma source(%dma_start3A_93 : memref<632x64xf32, #tpu.memory_space<vmem_shared>>) target(%dma_start3A_91 : memref<632x64xf32, #tpu.memory_space<hbm>>) target_semaphore(%run_scoped3A : memref<!tpu.dma_semaphore, #tpu.memory_space<semaphore_mem>>)
      %dma_wait3A_94 = arith.constant 0 : i32
      %dma_wait3A_95 = tpu.memref_slice %arg7[%arg0, %mul3A_88, %dma_wait3A_94] : memref<2x10112x64xf32, #tpu.memory_space<hbm>> -> memref<1x632x64xf32, #tpu.memory_space<hbm>>
      %dma_wait3A_96 = tpu.memref_squeeze %dma_wait3A_95 : memref<1x632x64xf32, #tpu.memory_space<hbm>> -> memref<632x64xf32, #tpu.memory_space<hbm>>
      %dma_wait3A_97 = arith.constant 0 : i32
      %dma_wait3A_98 = tpu.memref_slice %arg14[%mul3A_86, %dma_wait3A_97] : memref<10112x64xf32, #tpu.memory_space<vmem_shared>> -> memref<632x64xf32, #tpu.memory_space<vmem_shared>>
      tpu.wait_dma2 semaphore(%run_scoped3A : memref<!tpu.dma_semaphore, #tpu.memory_space<semaphore_mem>>) src(%dma_wait3A_98 : memref<632x64xf32, #tpu.memory_space<vmem_shared>>) dst(%dma_wait3A_96 : memref<632x64xf32, #tpu.memory_space<hbm>>)
      tpu.yield
    }) : () -> ()
    return
  }
}

#map = affine_map<(d0, d1) -> (0, 0)>
#map1 = affine_map<(d0, d1) -> (0, 0, 0)>
module attributes {stable_mosaic.version = 14 : i64} {
  func.func @_sc_scatter(%arg0: i32, %arg1: i32, %arg2: memref<10000x64xf32, #tpu.memory_space<hbm>>, %arg3: memref<32x81x128xi32, #tpu.memory_space<hbm>>, %arg4: memref<32x80x128xi32, #tpu.memory_space<hbm>>, %arg5: memref<1x128xi32, #tpu.memory_space<hbm>>, %arg6: memref<10112x64xf32, #tpu.memory_space<hbm>>, %arg7: memref<2x10112x64xf32, #tpu.memory_space<hbm>>, %arg8: memref<81x128xi32, #tpu.memory_space<vmem>>, %arg9: memref<80x128xi32, #tpu.memory_space<vmem>>, %arg10: memref<1x128xi32, #tpu.memory_space<vmem>>, %arg11: memref<128x64xf32, #tpu.memory_space<vmem>>, %arg12: memref<128x64xf32, #tpu.memory_space<vmem>>, %arg13: memref<10000x64xf32, #tpu.memory_space<vmem_shared>>, %arg14: memref<10112x64xf32, #tpu.memory_space<vmem_shared>>, %arg15: memref<!tpu.dma_semaphore, #tpu.memory_space<semaphore_mem>>, %arg16: memref<!tpu.dma_semaphore, #tpu.memory_space<semaphore_mem>>, %arg17: memref<!tpu.dma_semaphore, #tpu.memory_space<semaphore_mem>>, %arg18: memref<!tpu.dma_semaphore, #tpu.memory_space<semaphore_mem>>) attributes {dimension_semantics = [#tpu.dimension_semantics<core_parallel>, #tpu.dimension_semantics<subcore_parallel>], iteration_bounds = array<i64: 2, 16>, scalar_prefetch = 0 : i64, scratch_operands = 11 : i64, tpu.core_type = #tpu.core_type<sc_vector_subcore>, window_params = [{transform_indices = #map}, {transform_indices = #map1}, {transform_indices = #map1}, {transform_indices = #map}, {transform_indices = #map}, {transform_indices = #map1}]} {
    %mul3A = arith.constant 2 : i32
    %mul3A_0 = arith.muli %arg1, %mul3A : i32
    %add3A = arith.addi %mul3A_0, %arg0 : i32
    %dma_start3A = arith.constant 0 : i32
    %dma_start3A_1 = arith.constant 0 : i32
    %dma_start3A_2 = tpu.memref_slice %arg3[%add3A, %dma_start3A, %dma_start3A_1] : memref<32x81x128xi32, #tpu.memory_space<hbm>> -> memref<1x81x128xi32, #tpu.memory_space<hbm>>
    %dma_start3A_3 = tpu.memref_squeeze %dma_start3A_2 : memref<1x81x128xi32, #tpu.memory_space<hbm>> -> memref<81x128xi32, #tpu.memory_space<hbm>>
    %dma_start3A_4 = arith.constant 0 : i32
    %dma_start3A_5 = arith.constant 0 : i32
    %dma_start3A_6 = tpu.memref_slice %arg3[%add3A, %dma_start3A_4, %dma_start3A_5] : memref<32x81x128xi32, #tpu.memory_space<hbm>> -> memref<1x81x128xi32, #tpu.memory_space<hbm>>
    %dma_start3A_7 = tpu.memref_squeeze %dma_start3A_6 : memref<1x81x128xi32, #tpu.memory_space<hbm>> -> memref<81x128xi32, #tpu.memory_space<hbm>>
    tpu.enqueue_dma source(%dma_start3A_7 : memref<81x128xi32, #tpu.memory_space<hbm>>) target(%arg8 : memref<81x128xi32, #tpu.memory_space<vmem>>) target_semaphore(%arg15 : memref<!tpu.dma_semaphore, #tpu.memory_space<semaphore_mem>>)
    %dma_start3A_8 = arith.constant 0 : i32
    %dma_start3A_9 = arith.constant 0 : i32
    %dma_start3A_10 = tpu.memref_slice %arg4[%add3A, %dma_start3A_8, %dma_start3A_9] : memref<32x80x128xi32, #tpu.memory_space<hbm>> -> memref<1x80x128xi32, #tpu.memory_space<hbm>>
    %dma_start3A_11 = tpu.memref_squeeze %dma_start3A_10 : memref<1x80x128xi32, #tpu.memory_space<hbm>> -> memref<80x128xi32, #tpu.memory_space<hbm>>
    %dma_start3A_12 = arith.constant 0 : i32
    %dma_start3A_13 = arith.constant 0 : i32
    %dma_start3A_14 = tpu.memref_slice %arg4[%add3A, %dma_start3A_12, %dma_start3A_13] : memref<32x80x128xi32, #tpu.memory_space<hbm>> -> memref<1x80x128xi32, #tpu.memory_space<hbm>>
    %dma_start3A_15 = tpu.memref_squeeze %dma_start3A_14 : memref<1x80x128xi32, #tpu.memory_space<hbm>> -> memref<80x128xi32, #tpu.memory_space<hbm>>
    tpu.enqueue_dma source(%dma_start3A_15 : memref<80x128xi32, #tpu.memory_space<hbm>>) target(%arg9 : memref<80x128xi32, #tpu.memory_space<vmem>>) target_semaphore(%arg16 : memref<!tpu.dma_semaphore, #tpu.memory_space<semaphore_mem>>)
    tpu.enqueue_dma source(%arg5 : memref<1x128xi32, #tpu.memory_space<hbm>>) target(%arg10 : memref<1x128xi32, #tpu.memory_space<vmem>>) target_semaphore(%arg17 : memref<!tpu.dma_semaphore, #tpu.memory_space<semaphore_mem>>)
    %mul3A_16 = arith.constant 625 : i32
    %mul3A_17 = arith.muli %arg1, %mul3A_16 : i32
    %mul3A_18 = arith.constant 625 : i32
    %mul3A_19 = arith.muli %arg1, %mul3A_18 : i32
    %dma_start3A_20 = arith.constant 0 : i32
    %dma_start3A_21 = tpu.memref_slice %arg13[%mul3A_19, %dma_start3A_20] : memref<10000x64xf32, #tpu.memory_space<vmem_shared>> -> memref<625x64xf32, #tpu.memory_space<vmem_shared>>
    %dma_start3A_22 = arith.constant 0 : i32
    %dma_start3A_23 = tpu.memref_slice %arg2[%mul3A_17, %dma_start3A_22] : memref<10000x64xf32, #tpu.memory_space<hbm>> -> memref<625x64xf32, #tpu.memory_space<hbm>>
    tpu.enqueue_dma source(%dma_start3A_23 : memref<625x64xf32, #tpu.memory_space<hbm>>) target(%dma_start3A_21 : memref<625x64xf32, #tpu.memory_space<vmem_shared>>) target_semaphore(%arg18 : memref<!tpu.dma_semaphore, #tpu.memory_space<semaphore_mem>>)
    %mul3A_24 = arith.constant 632 : i32
    %mul3A_25 = arith.muli %arg1, %mul3A_24 : i32
    %mul3A_26 = arith.constant 632 : i32
    %mul3A_27 = arith.muli %arg1, %mul3A_26 : i32
    "tpu.region"() ({
      %run_scoped3A = tpu.sem_alloc : memref<!tpu.dma_semaphore, #tpu.memory_space<semaphore_mem>>
      %dma_start3A_89 = arith.constant 0 : i32
      %dma_start3A_90 = tpu.memref_slice %arg14[%mul3A_27, %dma_start3A_89] : memref<10112x64xf32, #tpu.memory_space<vmem_shared>> -> memref<632x64xf32, #tpu.memory_space<vmem_shared>>
      %dma_start3A_91 = arith.constant 0 : i32
      %dma_start3A_92 = tpu.memref_slice %arg6[%mul3A_25, %dma_start3A_91] : memref<10112x64xf32, #tpu.memory_space<hbm>> -> memref<632x64xf32, #tpu.memory_space<hbm>>
      tpu.enqueue_dma source(%dma_start3A_92 : memref<632x64xf32, #tpu.memory_space<hbm>>) target(%dma_start3A_90 : memref<632x64xf32, #tpu.memory_space<vmem_shared>>) target_semaphore(%run_scoped3A : memref<!tpu.dma_semaphore, #tpu.memory_space<semaphore_mem>>)
      %dma_wait3A_93 = arith.constant 0 : i32
      %dma_wait3A_94 = tpu.memref_slice %arg14[%mul3A_27, %dma_wait3A_93] : memref<10112x64xf32, #tpu.memory_space<vmem_shared>> -> memref<632x64xf32, #tpu.memory_space<vmem_shared>>
      %dma_wait3A_95 = arith.constant 0 : i32
      %dma_wait3A_96 = tpu.memref_slice %arg6[%mul3A_25, %dma_wait3A_95] : memref<10112x64xf32, #tpu.memory_space<hbm>> -> memref<632x64xf32, #tpu.memory_space<hbm>>
      tpu.wait_dma2 semaphore(%run_scoped3A : memref<!tpu.dma_semaphore, #tpu.memory_space<semaphore_mem>>) src(%dma_wait3A_96 : memref<632x64xf32, #tpu.memory_space<hbm>>) dst(%dma_wait3A_94 : memref<632x64xf32, #tpu.memory_space<vmem_shared>>)
      tpu.yield
    }) : () -> ()
    %dma_wait3A = arith.constant 0 : i32
    %dma_wait3A_28 = arith.constant 0 : i32
    %dma_wait3A_29 = tpu.memref_slice %arg3[%add3A, %dma_wait3A, %dma_wait3A_28] : memref<32x81x128xi32, #tpu.memory_space<hbm>> -> memref<1x81x128xi32, #tpu.memory_space<hbm>>
    %dma_wait3A_30 = tpu.memref_squeeze %dma_wait3A_29 : memref<1x81x128xi32, #tpu.memory_space<hbm>> -> memref<81x128xi32, #tpu.memory_space<hbm>>
    %dma_wait3A_31 = arith.constant 0 : i32
    %dma_wait3A_32 = arith.constant 0 : i32
    %dma_wait3A_33 = tpu.memref_slice %arg3[%add3A, %dma_wait3A_31, %dma_wait3A_32] : memref<32x81x128xi32, #tpu.memory_space<hbm>> -> memref<1x81x128xi32, #tpu.memory_space<hbm>>
    %dma_wait3A_34 = tpu.memref_squeeze %dma_wait3A_33 : memref<1x81x128xi32, #tpu.memory_space<hbm>> -> memref<81x128xi32, #tpu.memory_space<hbm>>
    tpu.wait_dma2 semaphore(%arg15 : memref<!tpu.dma_semaphore, #tpu.memory_space<semaphore_mem>>) src(%dma_wait3A_34 : memref<81x128xi32, #tpu.memory_space<hbm>>) dst(%arg8 : memref<81x128xi32, #tpu.memory_space<vmem>>)
    %dma_wait3A_35 = arith.constant 0 : i32
    %dma_wait3A_36 = arith.constant 0 : i32
    %dma_wait3A_37 = tpu.memref_slice %arg4[%add3A, %dma_wait3A_35, %dma_wait3A_36] : memref<32x80x128xi32, #tpu.memory_space<hbm>> -> memref<1x80x128xi32, #tpu.memory_space<hbm>>
    %dma_wait3A_38 = tpu.memref_squeeze %dma_wait3A_37 : memref<1x80x128xi32, #tpu.memory_space<hbm>> -> memref<80x128xi32, #tpu.memory_space<hbm>>
    %dma_wait3A_39 = arith.constant 0 : i32
    %dma_wait3A_40 = arith.constant 0 : i32
    %dma_wait3A_41 = tpu.memref_slice %arg4[%add3A, %dma_wait3A_39, %dma_wait3A_40] : memref<32x80x128xi32, #tpu.memory_space<hbm>> -> memref<1x80x128xi32, #tpu.memory_space<hbm>>
    %dma_wait3A_42 = tpu.memref_squeeze %dma_wait3A_41 : memref<1x80x128xi32, #tpu.memory_space<hbm>> -> memref<80x128xi32, #tpu.memory_space<hbm>>
    tpu.wait_dma2 semaphore(%arg16 : memref<!tpu.dma_semaphore, #tpu.memory_space<semaphore_mem>>) src(%dma_wait3A_42 : memref<80x128xi32, #tpu.memory_space<hbm>>) dst(%arg9 : memref<80x128xi32, #tpu.memory_space<vmem>>)
    tpu.wait_dma2 semaphore(%arg17 : memref<!tpu.dma_semaphore, #tpu.memory_space<semaphore_mem>>) src(%arg5 : memref<1x128xi32, #tpu.memory_space<hbm>>) dst(%arg10 : memref<1x128xi32, #tpu.memory_space<vmem>>)
    %mul3A_43 = arith.constant 625 : i32
    %mul3A_44 = arith.muli %arg1, %mul3A_43 : i32
    %mul3A_45 = arith.constant 625 : i32
    %mul3A_46 = arith.muli %arg1, %mul3A_45 : i32
    %dma_wait3A_47 = arith.constant 0 : i32
    %dma_wait3A_48 = tpu.memref_slice %arg13[%mul3A_46, %dma_wait3A_47] : memref<10000x64xf32, #tpu.memory_space<vmem_shared>> -> memref<625x64xf32, #tpu.memory_space<vmem_shared>>
    %dma_wait3A_49 = arith.constant 0 : i32
    %dma_wait3A_50 = tpu.memref_slice %arg2[%mul3A_44, %dma_wait3A_49] : memref<10000x64xf32, #tpu.memory_space<hbm>> -> memref<625x64xf32, #tpu.memory_space<hbm>>
    tpu.wait_dma2 semaphore(%arg18 : memref<!tpu.dma_semaphore, #tpu.memory_space<semaphore_mem>>) src(%dma_wait3A_50 : memref<625x64xf32, #tpu.memory_space<hbm>>) dst(%dma_wait3A_48 : memref<625x64xf32, #tpu.memory_space<vmem_shared>>)
    %barrier3A = arith.constant 0 : index
    tpu.barrier barrier_id(%barrier3A)
    %dma_start3A_51 = arith.constant 0 : i32
    %dma_start3A_52 = arith.constant 0 : i32
    %dma_start3A_53 = tpu.memref_slice %arg8[%dma_start3A_51, %dma_start3A_52] : memref<81x128xi32, #tpu.memory_space<vmem>> -> memref<1x128xi32, #tpu.memory_space<vmem>>
    %dma_start3A_54 = tpu.memref_squeeze %dma_start3A_53 : memref<1x128xi32, #tpu.memory_space<vmem>> -> memref<128xi32, #tpu.memory_space<vmem>>
    %dma_start3A_55 = arith.constant 0 : i32
    %dma_start3A_56 = arith.constant 0 : i32
    %dma_start3A_57 = tpu.memref_slice %arg13[%dma_start3A_55, %dma_start3A_56] : memref<10000x64xf32, #tpu.memory_space<vmem_shared>> -> memref<10000x64xf32, #tpu.memory_space<vmem_shared>>
    tpu.enqueue_indirect_dma source(%dma_start3A_57 : memref<10000x64xf32, #tpu.memory_space<vmem_shared>>) target(%arg11 : memref<128x64xf32, #tpu.memory_space<vmem>>) offsets(%dma_start3A_54 : memref<128xi32, #tpu.memory_space<vmem>>) semaphore(%arg15 : memref<!tpu.dma_semaphore, #tpu.memory_space<semaphore_mem>>)
    %dma_start3A_58 = arith.constant 0 : i32
    %dma_start3A_59 = arith.constant 0 : i32
    %dma_start3A_60 = tpu.memref_slice %arg10[%dma_start3A_58, %dma_start3A_59] : memref<1x128xi32, #tpu.memory_space<vmem>> -> memref<1x128xi32, #tpu.memory_space<vmem>>
    %dma_start3A_61 = tpu.memref_squeeze %dma_start3A_60 : memref<1x128xi32, #tpu.memory_space<vmem>> -> memref<128xi32, #tpu.memory_space<vmem>>
    %dma_start3A_62 = arith.constant 0 : i32
    %dma_start3A_63 = arith.constant 0 : i32
    %dma_start3A_64 = tpu.memref_slice %arg14[%dma_start3A_62, %dma_start3A_63] : memref<10112x64xf32, #tpu.memory_space<vmem_shared>> -> memref<10112x64xf32, #tpu.memory_space<vmem_shared>>
    tpu.enqueue_indirect_dma source(%arg12 : memref<128x64xf32, #tpu.memory_space<vmem>>) target(%dma_start3A_64 : memref<10112x64xf32, #tpu.memory_space<vmem_shared>>) offsets(%dma_start3A_61 : memref<128xi32, #tpu.memory_space<vmem>>) semaphore(%arg18 : memref<!tpu.dma_semaphore, #tpu.memory_space<semaphore_mem>>) {add = true}
    %scan3A = arith.constant 0 : i32
    %scan3A_65 = arith.constant 0 : i32
    %scan3A_66 = arith.constant 40 : i32
    %scan3A_67 = arith.addi %scan3A_65, %scan3A_66 : i32
    %scan3A_68 = arith.constant 1 : i32
    scf.for %scan3A_89 = %scan3A_65 to %scan3A_67 step %scan3A_68  : i32 {
      %mul3A_90 = arith.constant 2 : i32
      %mul3A_91 = arith.muli %mul3A_90, %scan3A_89 : i32
      %dma_wait3A_92 = arith.constant 0 : i32
      %dma_wait3A_93 = arith.constant 0 : i32
      %dma_wait3A_94 = tpu.memref_slice %arg10[%dma_wait3A_92, %dma_wait3A_93] : memref<1x128xi32, #tpu.memory_space<vmem>> -> memref<1x128xi32, #tpu.memory_space<vmem>>
      %dma_wait3A_95 = tpu.memref_squeeze %dma_wait3A_94 : memref<1x128xi32, #tpu.memory_space<vmem>> -> memref<128xi32, #tpu.memory_space<vmem>>
      %dma_wait3A_96 = arith.constant 0 : i32
      %dma_wait3A_97 = arith.constant 0 : i32
      %dma_wait3A_98 = tpu.memref_slice %arg14[%dma_wait3A_96, %dma_wait3A_97] : memref<10112x64xf32, #tpu.memory_space<vmem_shared>> -> memref<10112x64xf32, #tpu.memory_space<vmem_shared>>
      tpu.wait_indirect_dma semaphore(%arg18 : memref<!tpu.dma_semaphore, #tpu.memory_space<semaphore_mem>>) src(%arg12 : memref<128x64xf32, #tpu.memory_space<vmem>>) dst(%dma_wait3A_98 : memref<10112x64xf32, #tpu.memory_space<vmem_shared>>)
      %dma_wait3A_99 = arith.constant 0 : i32
      %dma_wait3A_100 = tpu.memref_slice %arg8[%mul3A_91, %dma_wait3A_99] : memref<81x128xi32, #tpu.memory_space<vmem>> -> memref<1x128xi32, #tpu.memory_space<vmem>>
      %dma_wait3A_101 = tpu.memref_squeeze %dma_wait3A_100 : memref<1x128xi32, #tpu.memory_space<vmem>> -> memref<128xi32, #tpu.memory_space<vmem>>
      %dma_wait3A_102 = arith.constant 0 : i32
      %dma_wait3A_103 = arith.constant 0 : i32
      %dma_wait3A_104 = tpu.memref_slice %arg13[%dma_wait3A_102, %dma_wait3A_103] : memref<10000x64xf32, #tpu.memory_space<vmem_shared>> -> memref<10000x64xf32, #tpu.memory_space<vmem_shared>>
      tpu.wait_indirect_dma semaphore(%arg15 : memref<!tpu.dma_semaphore, #tpu.memory_space<semaphore_mem>>) src(%dma_wait3A_104 : memref<10000x64xf32, #tpu.memory_space<vmem_shared>>) dst(%arg11 : memref<128x64xf32, #tpu.memory_space<vmem>>)
      %add3A_105 = arith.constant 1 : i32
      %add3A_106 = arith.addi %mul3A_91, %add3A_105 : i32
      %dma_start3A_107 = arith.constant 0 : i32
      %dma_start3A_108 = tpu.memref_slice %arg8[%add3A_106, %dma_start3A_107] : memref<81x128xi32, #tpu.memory_space<vmem>> -> memref<1x128xi32, #tpu.memory_space<vmem>>
      %dma_start3A_109 = tpu.memref_squeeze %dma_start3A_108 : memref<1x128xi32, #tpu.memory_space<vmem>> -> memref<128xi32, #tpu.memory_space<vmem>>
      %dma_start3A_110 = arith.constant 0 : i32
      %dma_start3A_111 = arith.constant 0 : i32
      %dma_start3A_112 = tpu.memref_slice %arg13[%dma_start3A_110, %dma_start3A_111] : memref<10000x64xf32, #tpu.memory_space<vmem_shared>> -> memref<10000x64xf32, #tpu.memory_space<vmem_shared>>
      tpu.enqueue_indirect_dma source(%dma_start3A_112 : memref<10000x64xf32, #tpu.memory_space<vmem_shared>>) target(%arg12 : memref<128x64xf32, #tpu.memory_space<vmem>>) offsets(%dma_start3A_109 : memref<128xi32, #tpu.memory_space<vmem>>) semaphore(%arg16 : memref<!tpu.dma_semaphore, #tpu.memory_space<semaphore_mem>>)
      %dma_start3A_113 = arith.constant 0 : i32
      %dma_start3A_114 = tpu.memref_slice %arg9[%mul3A_91, %dma_start3A_113] : memref<80x128xi32, #tpu.memory_space<vmem>> -> memref<1x128xi32, #tpu.memory_space<vmem>>
      %dma_start3A_115 = tpu.memref_squeeze %dma_start3A_114 : memref<1x128xi32, #tpu.memory_space<vmem>> -> memref<128xi32, #tpu.memory_space<vmem>>
      %dma_start3A_116 = arith.constant 0 : i32
      %dma_start3A_117 = arith.constant 0 : i32
      %dma_start3A_118 = tpu.memref_slice %arg14[%dma_start3A_116, %dma_start3A_117] : memref<10112x64xf32, #tpu.memory_space<vmem_shared>> -> memref<10112x64xf32, #tpu.memory_space<vmem_shared>>
      tpu.enqueue_indirect_dma source(%arg11 : memref<128x64xf32, #tpu.memory_space<vmem>>) target(%dma_start3A_118 : memref<10112x64xf32, #tpu.memory_space<vmem_shared>>) offsets(%dma_start3A_115 : memref<128xi32, #tpu.memory_space<vmem>>) semaphore(%arg17 : memref<!tpu.dma_semaphore, #tpu.memory_space<semaphore_mem>>) {add = true}
      %dma_wait3A_119 = arith.constant 0 : i32
      %dma_wait3A_120 = arith.constant 0 : i32
      %dma_wait3A_121 = tpu.memref_slice %arg10[%dma_wait3A_119, %dma_wait3A_120] : memref<1x128xi32, #tpu.memory_space<vmem>> -> memref<1x128xi32, #tpu.memory_space<vmem>>
      %dma_wait3A_122 = tpu.memref_squeeze %dma_wait3A_121 : memref<1x128xi32, #tpu.memory_space<vmem>> -> memref<128xi32, #tpu.memory_space<vmem>>
      %dma_wait3A_123 = arith.constant 0 : i32
      %dma_wait3A_124 = arith.constant 0 : i32
      %dma_wait3A_125 = tpu.memref_slice %arg14[%dma_wait3A_123, %dma_wait3A_124] : memref<10112x64xf32, #tpu.memory_space<vmem_shared>> -> memref<10112x64xf32, #tpu.memory_space<vmem_shared>>
      tpu.wait_indirect_dma semaphore(%arg17 : memref<!tpu.dma_semaphore, #tpu.memory_space<semaphore_mem>>) src(%arg11 : memref<128x64xf32, #tpu.memory_space<vmem>>) dst(%dma_wait3A_125 : memref<10112x64xf32, #tpu.memory_space<vmem_shared>>)
      %add3A_126 = arith.constant 1 : i32
      %add3A_127 = arith.addi %mul3A_91, %add3A_126 : i32
      %dma_wait3A_128 = arith.constant 0 : i32
      %dma_wait3A_129 = tpu.memref_slice %arg8[%add3A_127, %dma_wait3A_128] : memref<81x128xi32, #tpu.memory_space<vmem>> -> memref<1x128xi32, #tpu.memory_space<vmem>>
      %dma_wait3A_130 = tpu.memref_squeeze %dma_wait3A_129 : memref<1x128xi32, #tpu.memory_space<vmem>> -> memref<128xi32, #tpu.memory_space<vmem>>
      %dma_wait3A_131 = arith.constant 0 : i32
      %dma_wait3A_132 = arith.constant 0 : i32
      %dma_wait3A_133 = tpu.memref_slice %arg13[%dma_wait3A_131, %dma_wait3A_132] : memref<10000x64xf32, #tpu.memory_space<vmem_shared>> -> memref<10000x64xf32, #tpu.memory_space<vmem_shared>>
      tpu.wait_indirect_dma semaphore(%arg16 : memref<!tpu.dma_semaphore, #tpu.memory_space<semaphore_mem>>) src(%dma_wait3A_133 : memref<10000x64xf32, #tpu.memory_space<vmem_shared>>) dst(%arg12 : memref<128x64xf32, #tpu.memory_space<vmem>>)
      %add3A_134 = arith.constant 2 : i32
      %add3A_135 = arith.addi %mul3A_91, %add3A_134 : i32
      %dma_start3A_136 = arith.constant 0 : i32
      %dma_start3A_137 = tpu.memref_slice %arg8[%add3A_135, %dma_start3A_136] : memref<81x128xi32, #tpu.memory_space<vmem>> -> memref<1x128xi32, #tpu.memory_space<vmem>>
      %dma_start3A_138 = tpu.memref_squeeze %dma_start3A_137 : memref<1x128xi32, #tpu.memory_space<vmem>> -> memref<128xi32, #tpu.memory_space<vmem>>
      %dma_start3A_139 = arith.constant 0 : i32
      %dma_start3A_140 = arith.constant 0 : i32
      %dma_start3A_141 = tpu.memref_slice %arg13[%dma_start3A_139, %dma_start3A_140] : memref<10000x64xf32, #tpu.memory_space<vmem_shared>> -> memref<10000x64xf32, #tpu.memory_space<vmem_shared>>
      tpu.enqueue_indirect_dma source(%dma_start3A_141 : memref<10000x64xf32, #tpu.memory_space<vmem_shared>>) target(%arg11 : memref<128x64xf32, #tpu.memory_space<vmem>>) offsets(%dma_start3A_138 : memref<128xi32, #tpu.memory_space<vmem>>) semaphore(%arg15 : memref<!tpu.dma_semaphore, #tpu.memory_space<semaphore_mem>>)
      %add3A_142 = arith.constant 1 : i32
      %add3A_143 = arith.addi %mul3A_91, %add3A_142 : i32
      %dma_start3A_144 = arith.constant 0 : i32
      %dma_start3A_145 = tpu.memref_slice %arg9[%add3A_143, %dma_start3A_144] : memref<80x128xi32, #tpu.memory_space<vmem>> -> memref<1x128xi32, #tpu.memory_space<vmem>>
      %dma_start3A_146 = tpu.memref_squeeze %dma_start3A_145 : memref<1x128xi32, #tpu.memory_space<vmem>> -> memref<128xi32, #tpu.memory_space<vmem>>
      %dma_start3A_147 = arith.constant 0 : i32
      %dma_start3A_148 = arith.constant 0 : i32
      %dma_start3A_149 = tpu.memref_slice %arg14[%dma_start3A_147, %dma_start3A_148] : memref<10112x64xf32, #tpu.memory_space<vmem_shared>> -> memref<10112x64xf32, #tpu.memory_space<vmem_shared>>
      tpu.enqueue_indirect_dma source(%arg12 : memref<128x64xf32, #tpu.memory_space<vmem>>) target(%dma_start3A_149 : memref<10112x64xf32, #tpu.memory_space<vmem_shared>>) offsets(%dma_start3A_146 : memref<128xi32, #tpu.memory_space<vmem>>) semaphore(%arg18 : memref<!tpu.dma_semaphore, #tpu.memory_space<semaphore_mem>>) {add = true}
    }
    %scan3A_69 = arith.constant 40 : i32
    %dma_wait3A_70 = arith.constant 0 : i32
    %dma_wait3A_71 = arith.constant 0 : i32
    %dma_wait3A_72 = tpu.memref_slice %arg10[%dma_wait3A_70, %dma_wait3A_71] : memref<1x128xi32, #tpu.memory_space<vmem>> -> memref<1x128xi32, #tpu.memory_space<vmem>>
    %dma_wait3A_73 = tpu.memref_squeeze %dma_wait3A_72 : memref<1x128xi32, #tpu.memory_space<vmem>> -> memref<128xi32, #tpu.memory_space<vmem>>
    %dma_wait3A_74 = arith.constant 0 : i32
    %dma_wait3A_75 = arith.constant 0 : i32
    %dma_wait3A_76 = tpu.memref_slice %arg14[%dma_wait3A_74, %dma_wait3A_75] : memref<10112x64xf32, #tpu.memory_space<vmem_shared>> -> memref<10112x64xf32, #tpu.memory_space<vmem_shared>>
    tpu.wait_indirect_dma semaphore(%arg18 : memref<!tpu.dma_semaphore, #tpu.memory_space<semaphore_mem>>) src(%arg12 : memref<128x64xf32, #tpu.memory_space<vmem>>) dst(%dma_wait3A_76 : memref<10112x64xf32, #tpu.memory_space<vmem_shared>>)
    %dma_wait3A_77 = arith.constant 80 : i32
    %dma_wait3A_78 = arith.constant 0 : i32
    %dma_wait3A_79 = tpu.memref_slice %arg8[%dma_wait3A_77, %dma_wait3A_78] : memref<81x128xi32, #tpu.memory_space<vmem>> -> memref<1x128xi32, #tpu.memory_space<vmem>>
    %dma_wait3A_80 = tpu.memref_squeeze %dma_wait3A_79 : memref<1x128xi32, #tpu.memory_space<vmem>> -> memref<128xi32, #tpu.memory_space<vmem>>
    %dma_wait3A_81 = arith.constant 0 : i32
    %dma_wait3A_82 = arith.constant 0 : i32
    %dma_wait3A_83 = tpu.memref_slice %arg13[%dma_wait3A_81, %dma_wait3A_82] : memref<10000x64xf32, #tpu.memory_space<vmem_shared>> -> memref<10000x64xf32, #tpu.memory_space<vmem_shared>>
    tpu.wait_indirect_dma semaphore(%arg15 : memref<!tpu.dma_semaphore, #tpu.memory_space<semaphore_mem>>) src(%dma_wait3A_83 : memref<10000x64xf32, #tpu.memory_space<vmem_shared>>) dst(%arg11 : memref<128x64xf32, #tpu.memory_space<vmem>>)
    %barrier3A_84 = arith.constant 0 : index
    tpu.barrier barrier_id(%barrier3A_84)
    %mul3A_85 = arith.constant 632 : i32
    %mul3A_86 = arith.muli %arg1, %mul3A_85 : i32
    %mul3A_87 = arith.constant 632 : i32
    %mul3A_88 = arith.muli %arg1, %mul3A_87 : i32
    "tpu.region"() ({
      %run_scoped3A = tpu.sem_alloc : memref<!tpu.dma_semaphore, #tpu.memory_space<semaphore_mem>>
      %dma_start3A_89 = arith.constant 0 : i32
      %dma_start3A_90 = tpu.memref_slice %arg7[%arg0, %mul3A_88, %dma_start3A_89] : memref<2x10112x64xf32, #tpu.memory_space<hbm>> -> memref<1x632x64xf32, #tpu.memory_space<hbm>>
      %dma_start3A_91 = tpu.memref_squeeze %dma_start3A_90 : memref<1x632x64xf32, #tpu.memory_space<hbm>> -> memref<632x64xf32, #tpu.memory_space<hbm>>
      %dma_start3A_92 = arith.constant 0 : i32
      %dma_start3A_93 = tpu.memref_slice %arg14[%mul3A_86, %dma_start3A_92] : memref<10112x64xf32, #tpu.memory_space<vmem_shared>> -> memref<632x64xf32, #tpu.memory_space<vmem_shared>>
      tpu.enqueue_dma source(%dma_start3A_93 : memref<632x64xf32, #tpu.memory_space<vmem_shared>>) target(%dma_start3A_91 : memref<632x64xf32, #tpu.memory_space<hbm>>) target_semaphore(%run_scoped3A : memref<!tpu.dma_semaphore, #tpu.memory_space<semaphore_mem>>)
      %dma_wait3A_94 = arith.constant 0 : i32
      %dma_wait3A_95 = tpu.memref_slice %arg7[%arg0, %mul3A_88, %dma_wait3A_94] : memref<2x10112x64xf32, #tpu.memory_space<hbm>> -> memref<1x632x64xf32, #tpu.memory_space<hbm>>
      %dma_wait3A_96 = tpu.memref_squeeze %dma_wait3A_95 : memref<1x632x64xf32, #tpu.memory_space<hbm>> -> memref<632x64xf32, #tpu.memory_space<hbm>>
      %dma_wait3A_97 = arith.constant 0 : i32
      %dma_wait3A_98 = tpu.memref_slice %arg14[%mul3A_86, %dma_wait3A_97] : memref<10112x64xf32, #tpu.memory_space<vmem_shared>> -> memref<632x64xf32, #tpu.memory_space<vmem_shared>>
      tpu.wait_dma2 semaphore(%run_scoped3A : memref<!tpu.dma_semaphore, #tpu.memory_space<semaphore_mem>>) src(%dma_wait3A_98 : memref<632x64xf32, #tpu.memory_space<vmem_shared>>) dst(%dma_wait3A_96 : memref<632x64xf32, #tpu.memory_space<hbm>>)
      tpu.yield
    }) : () -> ()
    return
  }
}

module attributes {stable_mosaic.version = 14 : i64} {
  func.func @_tc_pre(%arg0: memref<2x10112x16xf32, #tpu.memory_space<vmem>>, %arg1: memref<10000x128xf32, #tpu.memory_space<vmem>>, %arg2: memref<128x64xf32, #tpu.memory_space<vmem>>, %arg3: memref<10000x64xf32, #tpu.memory_space<vmem>>, %arg4: memref<10000x1xf32, #tpu.memory_space<vmem>>) attributes {dimension_semantics = [], scalar_prefetch = 0 : i64, scratch_operands = 0 : i64, tpu.core_type = #tpu.core_type<tc>} {
    %get3A = arith.constant 0 : index
    %get3A_0 = arith.constant 0 : index
    %get3A_1 = arith.constant 0 : index
    %get3A_2 = vector.load %arg0[%get3A, %get3A_0, %get3A_1] : memref<2x10112x16xf32, #tpu.memory_space<vmem>>, vector<1x10000x1xf32>
    %get3A_3 = vector.shape_cast %get3A_2 : vector<1x10000x1xf32> to vector<10000x1xf32>
    %get3A_4 = arith.constant 1 : index
    %get3A_5 = arith.constant 0 : index
    %get3A_6 = arith.constant 0 : index
    %get3A_7 = vector.load %arg0[%get3A_4, %get3A_5, %get3A_6] : memref<2x10112x16xf32, #tpu.memory_space<vmem>>, vector<1x10000x1xf32>
    %get3A_8 = vector.shape_cast %get3A_7 : vector<1x10000x1xf32> to vector<10000x1xf32>
    %add3A = arith.addf %get3A_3, %get3A_8 : vector<10000x1xf32>
    %add3A_9 = arith.constant 1.000000e+00 : f32
    %add3A_10 = vector.broadcast %add3A_9 : f32 to vector<10000x1xf32>
    %add3A_11 = arith.addf %add3A, %add3A_10 : vector<10000x1xf32>
    %rsqrt3A = math.rsqrt %add3A_11 : vector<10000x1xf32>
    %swap3A = arith.constant 0 : index
    %swap3A_12 = arith.constant 0 : index
    %swap3A_13 = vector.load %arg4[%swap3A, %swap3A_12] : memref<10000x1xf32, #tpu.memory_space<vmem>>, vector<10000x1xf32>
    tpu.vector_store %arg4[%swap3A, %swap3A_12], %rsqrt3A {strides = array<i32>} : memref<10000x1xf32, #tpu.memory_space<vmem>>, vector<10000x1xf32>,
    %get3A_14 = arith.constant 0 : index
    %get3A_15 = arith.constant 0 : index
    %get3A_16 = vector.load %arg1[%get3A_14, %get3A_15] : memref<10000x128xf32, #tpu.memory_space<vmem>>, vector<10000x128xf32>
    %mul3A = vector.broadcast %rsqrt3A : vector<10000x1xf32> to vector<10000x128xf32>
    %mul3A_17 = arith.mulf %get3A_16, %mul3A : vector<10000x128xf32>
    %get3A_18 = arith.constant 0 : index
    %get3A_19 = arith.constant 0 : index
    %get3A_20 = vector.load %arg2[%get3A_18, %get3A_19] : memref<128x64xf32, #tpu.memory_space<vmem>>, vector<128x64xf32>
    %dot_general3A = arith.constant dense<0.000000e+00> : vector<10000x64xf32>
    %dot_general3A_21 = tpu.matmul %mul3A_17, %get3A_20, %dot_general3A {dimension_numbers = #tpu.dot_dimension_numbers<[1], [0], [0], [1], [0, 0, 1, 1], [], []>, transpose_lhs_hint = false} : vector<10000x128xf32>, vector<128x64xf32>, vector<10000x64xf32> -> vector<10000x64xf32>
    %swap3A_22 = arith.constant 0 : index
    %swap3A_23 = arith.constant 0 : index
    %swap3A_24 = vector.load %arg3[%swap3A_22, %swap3A_23] : memref<10000x64xf32, #tpu.memory_space<vmem>>, vector<10000x64xf32>
    tpu.vector_store %arg3[%swap3A_22, %swap3A_23], %dot_general3A_21 {strides = array<i32>} : memref<10000x64xf32, #tpu.memory_space<vmem>>, vector<10000x64xf32>,
    return
  }
}

module attributes {stable_mosaic.version = 14 : i64} {
  func.func @_tc_mid(%arg0: memref<2x10112x64xf32, #tpu.memory_space<vmem>>, %arg1: memref<10000x64xf32, #tpu.memory_space<vmem>>, %arg2: memref<10000x1xf32, #tpu.memory_space<vmem>>, %arg3: memref<1x64xf32, #tpu.memory_space<vmem>>, %arg4: memref<1x64xf32, #tpu.memory_space<vmem>>, %arg5: memref<1x64xf32, #tpu.memory_space<vmem>>, %arg6: memref<64x64xf32, #tpu.memory_space<vmem>>, %arg7: memref<10000x64xf32, #tpu.memory_space<vmem>>) attributes {dimension_semantics = [], scalar_prefetch = 0 : i64, scratch_operands = 0 : i64, tpu.core_type = #tpu.core_type<tc>} {
    %get3A = arith.constant 0 : index
    %get3A_0 = arith.constant 0 : index
    %get3A_1 = arith.constant 0 : index
    %get3A_2 = vector.load %arg0[%get3A, %get3A_0, %get3A_1] : memref<2x10112x64xf32, #tpu.memory_space<vmem>>, vector<1x10000x64xf32>
    %get3A_3 = vector.shape_cast %get3A_2 : vector<1x10000x64xf32> to vector<10000x64xf32>
    %get3A_4 = arith.constant 1 : index
    %get3A_5 = arith.constant 0 : index
    %get3A_6 = arith.constant 0 : index
    %get3A_7 = vector.load %arg0[%get3A_4, %get3A_5, %get3A_6] : memref<2x10112x64xf32, #tpu.memory_space<vmem>>, vector<1x10000x64xf32>
    %get3A_8 = vector.shape_cast %get3A_7 : vector<1x10000x64xf32> to vector<10000x64xf32>
    %add3A = arith.addf %get3A_3, %get3A_8 : vector<10000x64xf32>
    %get3A_9 = arith.constant 0 : index
    %get3A_10 = arith.constant 0 : index
    %get3A_11 = vector.load %arg1[%get3A_9, %get3A_10] : memref<10000x64xf32, #tpu.memory_space<vmem>>, vector<10000x64xf32>
    %add3A_12 = arith.addf %add3A, %get3A_11 : vector<10000x64xf32>
    %get3A_13 = arith.constant 0 : index
    %get3A_14 = arith.constant 0 : index
    %get3A_15 = vector.load %arg2[%get3A_13, %get3A_14] : memref<10000x1xf32, #tpu.memory_space<vmem>>, vector<10000x1xf32>
    %mul3A = vector.broadcast %get3A_15 : vector<10000x1xf32> to vector<10000x64xf32>
    %mul3A_16 = arith.mulf %add3A_12, %mul3A : vector<10000x64xf32>
    %get3A_17 = arith.constant 0 : index
    %get3A_18 = arith.constant 0 : index
    %get3A_19 = vector.load %arg3[%get3A_17, %get3A_18] : memref<1x64xf32, #tpu.memory_space<vmem>>, vector<1x64xf32>
    %add3A_20 = vector.broadcast %get3A_19 : vector<1x64xf32> to vector<10000x64xf32>
    %add3A_21 = arith.addf %mul3A_16, %add3A_20 : vector<10000x64xf32>
    %get3A_22 = arith.constant 0 : index
    %get3A_23 = arith.constant 0 : index
    %get3A_24 = vector.load %arg4[%get3A_22, %get3A_23] : memref<1x64xf32, #tpu.memory_space<vmem>>, vector<1x64xf32>
    %get3A_25 = arith.constant 0 : index
    %get3A_26 = arith.constant 0 : index
    %get3A_27 = vector.load %arg5[%get3A_25, %get3A_26] : memref<1x64xf32, #tpu.memory_space<vmem>>, vector<1x64xf32>
    %reduce_sum3A = arith.constant dense<0.000000e+00> : vector<64xf32>
    %reduce_sum3A_28 = vector.multi_reduction <add>, %add3A_21, %reduce_sum3A [0] : vector<10000x64xf32> to vector<64xf32>
    %broadcast_in_dim3A = vector.shape_cast %reduce_sum3A_28 : vector<64xf32> to vector<1x64xf32>
    %div3A = arith.constant 1.000000e+04 : f32
    %div3A_29 = vector.broadcast %div3A : f32 to vector<1x64xf32>
    %div3A_30 = arith.divf %broadcast_in_dim3A, %div3A_29 : vector<1x64xf32>
    %sub3A = vector.broadcast %div3A_30 : vector<1x64xf32> to vector<10000x64xf32>
    %sub3A_31 = arith.subf %add3A_21, %sub3A : vector<10000x64xf32>
    %integer_pow3A = arith.mulf %sub3A_31, %sub3A_31 : vector<10000x64xf32>
    %reduce_sum3A_32 = arith.constant dense<0.000000e+00> : vector<64xf32>
    %reduce_sum3A_33 = vector.multi_reduction <add>, %integer_pow3A, %reduce_sum3A_32 [0] : vector<10000x64xf32> to vector<64xf32>
    %broadcast_in_dim3A_34 = vector.shape_cast %reduce_sum3A_33 : vector<64xf32> to vector<1x64xf32>
    %div3A_35 = arith.constant 1.000000e+04 : f32
    %div3A_36 = vector.broadcast %div3A_35 : f32 to vector<1x64xf32>
    %div3A_37 = arith.divf %broadcast_in_dim3A_34, %div3A_36 : vector<1x64xf32>
    %sub3A_38 = vector.broadcast %div3A_30 : vector<1x64xf32> to vector<10000x64xf32>
    %sub3A_39 = arith.subf %add3A_21, %sub3A_38 : vector<10000x64xf32>
    %add3A_40 = arith.constant 9.99999974E-6 : f32
    %add3A_41 = vector.broadcast %add3A_40 : f32 to vector<1x64xf32>
    %add3A_42 = arith.addf %div3A_37, %add3A_41 : vector<1x64xf32>
    %rsqrt3A = math.rsqrt %add3A_42 : vector<1x64xf32>
    %mul3A_43 = vector.broadcast %rsqrt3A : vector<1x64xf32> to vector<10000x64xf32>
    %mul3A_44 = arith.mulf %sub3A_39, %mul3A_43 : vector<10000x64xf32>
    %mul3A_45 = vector.broadcast %get3A_24 : vector<1x64xf32> to vector<10000x64xf32>
    %mul3A_46 = arith.mulf %mul3A_44, %mul3A_45 : vector<10000x64xf32>
    %add3A_47 = vector.broadcast %get3A_27 : vector<1x64xf32> to vector<10000x64xf32>
    %add3A_48 = arith.addf %mul3A_46, %add3A_47 : vector<10000x64xf32>
    %max3A = arith.constant 0.000000e+00 : f32
    %max3A_49 = vector.broadcast %max3A : f32 to vector<10000x64xf32>
    %max3A_50 = arith.maximumf %add3A_48, %max3A_49 : vector<10000x64xf32>
    %get3A_51 = arith.constant 0 : index
    %get3A_52 = arith.constant 0 : index
    %get3A_53 = vector.load %arg2[%get3A_51, %get3A_52] : memref<10000x1xf32, #tpu.memory_space<vmem>>, vector<10000x1xf32>
    %mul3A_54 = vector.broadcast %get3A_53 : vector<10000x1xf32> to vector<10000x64xf32>
    %mul3A_55 = arith.mulf %max3A_50, %mul3A_54 : vector<10000x64xf32>
    %get3A_56 = arith.constant 0 : index
    %get3A_57 = arith.constant 0 : index
    %get3A_58 = vector.load %arg6[%get3A_56, %get3A_57] : memref<64x64xf32, #tpu.memory_space<vmem>>, vector<64x64xf32>
    %dot_general3A = arith.constant dense<0.000000e+00> : vector<10000x64xf32>
    %dot_general3A_59 = tpu.matmul %mul3A_55, %get3A_58, %dot_general3A {dimension_numbers = #tpu.dot_dimension_numbers<[1], [0], [0], [1], [0, 0, 1, 1], [], []>, transpose_lhs_hint = false} : vector<10000x64xf32>, vector<64x64xf32>, vector<10000x64xf32> -> vector<10000x64xf32>
    %swap3A = arith.constant 0 : index
    %swap3A_60 = arith.constant 0 : index
    %swap3A_61 = vector.load %arg7[%swap3A, %swap3A_60] : memref<10000x64xf32, #tpu.memory_space<vmem>>, vector<10000x64xf32>
    tpu.vector_store %arg7[%swap3A, %swap3A_60], %dot_general3A_59 {strides = array<i32>} : memref<10000x64xf32, #tpu.memory_space<vmem>>, vector<10000x64xf32>,
    return
  }
}

module attributes {stable_mosaic.version = 14 : i64} {
  func.func @_tc_post(%arg0: memref<2x10112x64xf32, #tpu.memory_space<vmem>>, %arg1: memref<10000x64xf32, #tpu.memory_space<vmem>>, %arg2: memref<10000x1xf32, #tpu.memory_space<vmem>>, %arg3: memref<1x64xf32, #tpu.memory_space<vmem>>, %arg4: memref<1x64xf32, #tpu.memory_space<vmem>>, %arg5: memref<1x64xf32, #tpu.memory_space<vmem>>, %arg6: memref<10000x64xf32, #tpu.memory_space<vmem>>) attributes {dimension_semantics = [], scalar_prefetch = 0 : i64, scratch_operands = 0 : i64, tpu.core_type = #tpu.core_type<tc>} {
    %get3A = arith.constant 0 : index
    %get3A_0 = arith.constant 0 : index
    %get3A_1 = arith.constant 0 : index
    %get3A_2 = vector.load %arg0[%get3A, %get3A_0, %get3A_1] : memref<2x10112x64xf32, #tpu.memory_space<vmem>>, vector<1x10000x64xf32>
    %get3A_3 = vector.shape_cast %get3A_2 : vector<1x10000x64xf32> to vector<10000x64xf32>
    %get3A_4 = arith.constant 1 : index
    %get3A_5 = arith.constant 0 : index
    %get3A_6 = arith.constant 0 : index
    %get3A_7 = vector.load %arg0[%get3A_4, %get3A_5, %get3A_6] : memref<2x10112x64xf32, #tpu.memory_space<vmem>>, vector<1x10000x64xf32>
    %get3A_8 = vector.shape_cast %get3A_7 : vector<1x10000x64xf32> to vector<10000x64xf32>
    %add3A = arith.addf %get3A_3, %get3A_8 : vector<10000x64xf32>
    %get3A_9 = arith.constant 0 : index
    %get3A_10 = arith.constant 0 : index
    %get3A_11 = vector.load %arg1[%get3A_9, %get3A_10] : memref<10000x64xf32, #tpu.memory_space<vmem>>, vector<10000x64xf32>
    %add3A_12 = arith.addf %add3A, %get3A_11 : vector<10000x64xf32>
    %get3A_13 = arith.constant 0 : index
    %get3A_14 = arith.constant 0 : index
    %get3A_15 = vector.load %arg2[%get3A_13, %get3A_14] : memref<10000x1xf32, #tpu.memory_space<vmem>>, vector<10000x1xf32>
    %mul3A = vector.broadcast %get3A_15 : vector<10000x1xf32> to vector<10000x64xf32>
    %mul3A_16 = arith.mulf %add3A_12, %mul3A : vector<10000x64xf32>
    %get3A_17 = arith.constant 0 : index
    %get3A_18 = arith.constant 0 : index
    %get3A_19 = vector.load %arg3[%get3A_17, %get3A_18] : memref<1x64xf32, #tpu.memory_space<vmem>>, vector<1x64xf32>
    %add3A_20 = vector.broadcast %get3A_19 : vector<1x64xf32> to vector<10000x64xf32>
    %add3A_21 = arith.addf %mul3A_16, %add3A_20 : vector<10000x64xf32>
    %get3A_22 = arith.constant 0 : index
    %get3A_23 = arith.constant 0 : index
    %get3A_24 = vector.load %arg4[%get3A_22, %get3A_23] : memref<1x64xf32, #tpu.memory_space<vmem>>, vector<1x64xf32>
    %get3A_25 = arith.constant 0 : index
    %get3A_26 = arith.constant 0 : index
    %get3A_27 = vector.load %arg5[%get3A_25, %get3A_26] : memref<1x64xf32, #tpu.memory_space<vmem>>, vector<1x64xf32>
    %reduce_sum3A = arith.constant dense<0.000000e+00> : vector<64xf32>
    %reduce_sum3A_28 = vector.multi_reduction <add>, %add3A_21, %reduce_sum3A [0] : vector<10000x64xf32> to vector<64xf32>
    %broadcast_in_dim3A = vector.shape_cast %reduce_sum3A_28 : vector<64xf32> to vector<1x64xf32>
    %div3A = arith.constant 1.000000e+04 : f32
    %div3A_29 = vector.broadcast %div3A : f32 to vector<1x64xf32>
    %div3A_30 = arith.divf %broadcast_in_dim3A, %div3A_29 : vector<1x64xf32>
    %sub3A = vector.broadcast %div3A_30 : vector<1x64xf32> to vector<10000x64xf32>
    %sub3A_31 = arith.subf %add3A_21, %sub3A : vector<10000x64xf32>
    %integer_pow3A = arith.mulf %sub3A_31, %sub3A_31 : vector<10000x64xf32>
    %reduce_sum3A_32 = arith.constant dense<0.000000e+00> : vector<64xf32>
    %reduce_sum3A_33 = vector.multi_reduction <add>, %integer_pow3A, %reduce_sum3A_32 [0] : vector<10000x64xf32> to vector<64xf32>
    %broadcast_in_dim3A_34 = vector.shape_cast %reduce_sum3A_33 : vector<64xf32> to vector<1x64xf32>
    %div3A_35 = arith.constant 1.000000e+04 : f32
    %div3A_36 = vector.broadcast %div3A_35 : f32 to vector<1x64xf32>
    %div3A_37 = arith.divf %broadcast_in_dim3A_34, %div3A_36 : vector<1x64xf32>
    %sub3A_38 = vector.broadcast %div3A_30 : vector<1x64xf32> to vector<10000x64xf32>
    %sub3A_39 = arith.subf %add3A_21, %sub3A_38 : vector<10000x64xf32>
    %add3A_40 = arith.constant 9.99999974E-6 : f32
    %add3A_41 = vector.broadcast %add3A_40 : f32 to vector<1x64xf32>
    %add3A_42 = arith.addf %div3A_37, %add3A_41 : vector<1x64xf32>
    %rsqrt3A = math.rsqrt %add3A_42 : vector<1x64xf32>
    %mul3A_43 = vector.broadcast %rsqrt3A : vector<1x64xf32> to vector<10000x64xf32>
    %mul3A_44 = arith.mulf %sub3A_39, %mul3A_43 : vector<10000x64xf32>
    %mul3A_45 = vector.broadcast %get3A_24 : vector<1x64xf32> to vector<10000x64xf32>
    %mul3A_46 = arith.mulf %mul3A_44, %mul3A_45 : vector<10000x64xf32>
    %add3A_47 = vector.broadcast %get3A_27 : vector<1x64xf32> to vector<10000x64xf32>
    %add3A_48 = arith.addf %mul3A_46, %add3A_47 : vector<10000x64xf32>
    %max3A = arith.constant 0.000000e+00 : f32
    %max3A_49 = vector.broadcast %max3A : f32 to vector<10000x64xf32>
    %max3A_50 = arith.maximumf %add3A_48, %max3A_49 : vector<10000x64xf32>
    %swap3A = arith.constant 0 : index
    %swap3A_51 = arith.constant 0 : index
    %swap3A_52 = vector.load %arg6[%swap3A, %swap3A_51] : memref<10000x64xf32, #tpu.memory_space<vmem>>, vector<10000x64xf32>
    tpu.vector_store %arg6[%swap3A, %swap3A_51], %max3A_50 {strides = array<i32>} : memref<10000x64xf32, #tpu.memory_space<vmem>>, vector<10000x64xf32>,
    return
  }
}

</mosaic_0001>

<sc_bundles>
// kernel: kernel.11.cloned.1.call-start
scs
__scs_entry_jumppad:
0x0: {  	(pc) =	sbr.rel $0x88, $3  }
0x1: {  	(tag) =	ssettag $0x0;
	lr =	simm.s32 $0x1  }
0x2: {  	[smem:$0x3F99] =	sst lr;
	_ =	strace $0xD0000000  }
0x3: {  	_ = 	snop  }
0x4: {  	_ = 	snop  }
0x5: {  	_ = 	snop  }
0x6: {  	_ = 	snop  }
0x7: {  	_ = 	snop  }
__scs_overlays_trampoline_lowered:
0x8: {  	[smem:$0x3FA8] =	sst s0  }
0x9: {  	[smem:$0x3FA9] =	sst s1  }
0xa: {  	[smem:$0x3FAA] =	sst s2  }
0xb: {  	[smem:$0x3FAB] =	sst s3  }
0xc: {  	[smem:$0x3FAC] =	sst s4  }
0xd: {  	[smem:$0x3FAD] =	sst s5  }
0xe: {  	[smem:$0x3FAE] =	sst s6  }
0xf: {  	[smem:$0x3FAF] =	sst s7  }
0x10: {  	[smem:$0x3FB0] =	sst s8  }
0x11: {  	[smem:$0x3FB1] =	sst s9;
	s0 =	simm.s32 @!p0 $0x0  }
0x12: {  	s1 =	sld [smem:$0x3F97];
	s0 =	simm.s32 @p0 $0x1  }
0x13: {  	[smem:$0x3FB2] =	sst s0;
	s0 =	simm.s32 @!p1 $0x0  }
0x14: {  	s2 =	sld [smem:$0x3F96];
	s0 =	simm.s32 @p1 $0x1  }
0x15: {  	[smem:$0x3FB3] =	sst s0;
	s0 =	simm.s32 @!p2 $0x0  }
0x16: {  	s3 =	sld [smem:$0x3FDB];
	s0 =	simm.s32 @p2 $0x1  }
0x17: {  	s4 =	simm.s32 $0x1BF5;
	[smem:$0x3FB5] =	sst s0  }
0x18: {  	s0 =	sld [smem:$0x3F98];
	_ =	swait.ge [sflag:s4], $0x0  }
0x19: {  	s7 =	sld [smem:$0x3F99]  }
0x1a: {  	s8 =	sadd.s32 $0xFFFFE003, lr  }
0x1b: {  	s9 =	sadd.s32 $0xFFFFFEF7, lr;
	s5 =	simm.s32 $0xFFFFFFFF;
	p2 =	slt.u32 s8, $0xFFFFF086  }
0x1c: {  	p1 =	slt.u32 s9, $0xF7A;
	s5 =	simm.s32 @!p2 $0x0  }
0x1d: {  	s5 =	simm.s32 @p1 $0x1;
	p0 =	seq.s32 s7, s2  }
0x1e: {  	s7 =	smul.u32 @!p0 $0xF7A, s2;
	p2 =	seq.s32 @!p0 s5, $0x0  }
0x1f: {  	s9 =	smul.u32 $0xF7A, s1;
	s8 =	simm.s32 @!p0 $0x1BF5;
	p2 =	por !p2, p0  }
0x20: {  	[sflag:s8] =	ssyncset.s32 @!p0 $0xFFFFF086;
	s6 =	sadd.s32 @!p0 s3, s7;
	s7 =	simm.s32 @!p0 $0x108  }
0x21: {  	s3 =	sadd.s32 s3, s9;
	s6 =	sadd.s32 @!p0 $0x88, s6;
	s7 =	simm.s32 @p2 $0x1082  }
0x22: {  	[simem:s7], [sflag:s8] =	dma.local @!p0 [hbm:s6], $0xF7A  }
0x23: {  	s9 =	sor.u32 $0xD0000000, s2;
	s6 =	simm.s32 $0x108;
	_ =	swait.ge @!p0 [sflag:s8], $0x0  }
0x24: {  	s3 =	sadd.s32 $0x88, s3;
	s6 =	simm.s32 @!p1 $0x1082;
	[sflag:s4] =	ssyncset.s32 $0xFFFFF086  }
0x25: {  	[simem:s6], [sflag:s4] =	dma.local [hbm:s3], $0xF7A  }
0x26: {  	[smem:$0x3F99] =	sst s1;
	(tag) =	ssettag s2;
	_ =	strace s9  }
0x27: {  	s1 =	sld [smem:$0x3FA9]  }
0x28: {  	s2 =	sld [smem:$0x3FAA]  }
0x29: {  	s4 =	sld [smem:$0x3FAC]  }
0x2a: {  	p0 =	seq.s32 s5, $0x0;
	s5 =	sld [smem:$0x3FAD]  }
0x2b: {  	s6 =	sld [smem:$0x3FAE]  }
0x2c: {  	s7 =	sld [smem:$0x3FAF]  }
0x2d: {  	s3 =	simm.s32 $0x108;
	s8 =	sld [smem:$0x3FB0]  }
0x2e: {  	s3 =	simm.s32 @!p0 $0x1082;
	s9 =	sld [smem:$0x3FB1]  }
0x2f: {  	lr =	sadd.s32 s0, s3;
	s0 =	sld [smem:$0x3FA8]  }
0x30: {  	s3 =	sld [smem:$0x3FAB]  }
0x31: {  	[smem:$0x3FB4] =	sst s10  }
0x32: {  	s10 =	sld [smem:$0x3FB2];
	_ =	sdelay $0x3  }
0x33: {  	p0 =	seq.s32 s10, $0x1;
	s10 =	sld [smem:$0x3FB4];
	_ =	sdelay $0x3  }
0x34: {  	[smem:$0x3FB4] =	sst s10  }
0x35: {  	s10 =	sld [smem:$0x3FB3];
	_ =	sdelay $0x3  }
0x36: {  	p1 =	seq.s32 s10, $0x1;
	s10 =	sld [smem:$0x3FB4];
	_ =	sdelay $0x3  }
0x37: {  	[smem:$0x3FB4] =	sst s10  }
0x38: {  	s10 =	sld [smem:$0x3FB5]  }
0x39: {  	_ = 	snop;
	(pc) =	sbr.ind lr, $3  }
0x3a: {  	_ = 	snop  }
0x3b: {  	_ = 	snop  }
0x3c: {  	p2 =	seq.s32 s10, $0x1;
	s10 =	sld [smem:$0x3FB4]  }
0x3d: {  	_ =	shalt  }
0x3e: {  	_ =	shalt  }
0x3f: {  	_ =	shalt  }
0x40: {  	_ =	shalt  }
0x41: {  	_ =	shalt  }
0x42: {  	_ =	shalt  }
0x43: {  	_ =	shalt  }
0x44: {  	_ =	shalt  }
0x45: {  	_ =	shalt  }
0x46: {  	_ =	shalt  }
0x47: {  	_ =	shalt  }
0x48: {  	_ =	shalt  }
0x49: {  	_ =	shalt  }
0x4a: {  	_ =	shalt  }
0x4b: {  	_ =	shalt  }
0x4c: {  	_ =	shalt  }
0x4d: {  	_ =	shalt  }
0x4e: {  	_ =	shalt  }
0x4f: {  	_ =	shalt  }
0x50: {  	_ =	shalt  }
0x51: {  	_ =	shalt  }
0x52: {  	_ =	shalt  }
0x53: {  	_ =	shalt  }
0x54: {  	_ =	shalt  }
0x55: {  	_ =	shalt  }
0x56: {  	_ =	shalt  }
0x57: {  	_ =	shalt  }
0x58: {  	_ =	shalt  }
0x59: {  	_ =	shalt  }
0x5a: {  	_ =	shalt  }
0x5b: {  	_ =	shalt  }
0x5c: {  	_ =	shalt  }
0x5d: {  	_ =	shalt  }
0x5e: {  	_ =	shalt  }
0x5f: {  	_ =	shalt  }
0x60: {  	_ =	shalt  }
0x61: {  	_ =	shalt  }
0x62: {  	_ =	shalt  }
0x63: {  	_ =	shalt  }
0x64: {  	_ =	shalt  }
0x65: {  	_ =	shalt  }
0x66: {  	_ =	shalt  }
0x67: {  	_ =	shalt  }
0x68: {  	_ =	shalt  }
0x69: {  	_ =	shalt  }
0x6a: {  	_ =	shalt  }
0x6b: {  	_ =	shalt  }
0x6c: {  	_ =	shalt  }
0x6d: {  	_ =	shalt  }
0x6e: {  	_ =	shalt  }
0x6f: {  	_ =	shalt  }
0x70: {  	_ =	shalt  }
0x71: {  	_ =	shalt  }
0x72: {  	_ =	shalt  }
0x73: {  	_ =	shalt  }
0x74: {  	_ =	shalt  }
0x75: {  	_ =	shalt  }
0x76: {  	_ =	shalt  }
0x77: {  	_ =	shalt  }
0x78: {  	_ =	shalt  }
0x79: {  	_ =	shalt  }
0x7a: {  	_ =	shalt  }
0x7b: {  	_ =	shalt  }
0x7c: {  	_ =	shalt  }
0x7d: {  	_ =	shalt  }
0x7e: {  	_ =	shalt  }
0x7f: {  	_ =	shalt  }
0x80: {  	_ =	shalt  }
0x81: {  	_ =	shalt  }
0x82: {  	_ =	shalt  }
0x83: {  	_ =	shalt  }
0x84: {  	_ =	shalt  }
0x85: {  	_ =	shalt  }
0x86: {  	_ =	shalt  }
0x87: {  	_ =	shalt  }
.Lfunc_end0:
.L_simem_size_0:
called_computation.1_lowered:
.L_overlay_start_0:
0x88: {  	s2 =	sld [smem:$0x3FD9]  }
0x89: {  	s3 =	sld [smem:$0x3FFE];
	_ =	sdelay $0x1  }
0x8a: {  	s1 =	srdreg.scid  }
0x8b: {  	s0 =	sand.u32 $0x1, s1  }
0x8c: {  	s14 =	sshll.u32 s0, $0xA;
	s2 =	sadd.s32 s3, s2  }
0x8d: {  	s2 =	sadd.s32 s2, s14  }
0x8e: {  	[smem:$0x3FC0] =	sst s2  }
0x8f: {  	_ = 	snop  }
0x90: {  	s2 =	sld [smem:$0x3FD0];
	_ =	sdelay $0x2  }
0x91: {  	s15 =	simm.s32 $0xA;
	s4 =	simm.s32 $0x10  }
0x92: {  	[smem:s4], [sflag:s15] =	dma.local [hbm:s2], $0x1  }
0x93: {  	_ =	swait.eq [sflag:s15], $0x1  }
0x94: {  	[sflag:s15] =	ssyncset.done $0x0  }
0x95: {  	s16 =	sld [smem:$0x10];
	[sflag:s15] =	ssyncadd.s32 $0xFFFFFFFF  }
0x96: {  	s17 =	sld [smem:$0x11];
	(tm) =	ssettm $0x1  }
0x97: {  	s18 =	sld [smem:$0x3FFB];
	_ =	sdelay $0x3  }
0x98: {  	_ =	strace s18  }
0x99: {  	s4 =	sld [smem:$0x3FFC];
	_ =	sdelay $0x3  }
0x9a: {  	_ =	strace s4  }
0x9b: {  	s4 =	sld [smem:$0x3FFD];
	_ =	sdelay $0x3  }
0x9c: {  	_ =	strace s4  }
0x9d: {  	_ =	strace $0x8FFFFFFF  }
0x9e: {  	s19 =	sld [smem:$0x3FDB];
	_ =	sdelay $0x1  }
0x9f: {  	s5 =	simm.s32 $_scs_section_size  }
0xa0: {  	s6 =	simm.s32 $_size__tile_overlayer_lowered;
	s7 =	simm.s32 $_tile_overlayer_lowered  }
0xa1: {  	s22 =	simm.s32 $0x1BFF;
	s21 =	sshll.u32 s7, $0x1;
	s4 =	sadd.s32 s5, s19  }
0xa2: {  	s8 =	simm.s32 $0x0;
	s20 =	sshll.u32 s6, $0x1;
	s6 =	sadd.s32 s21, s4  }
0xa3: {  	[timem:s8], [sflag:s22] =	dma.local [hbm:s6], s20  }
0xa4: {  	_ =	swait.ge [sflag:s22], s20  }
0xa5: {  	s5 =	ssub.s32 $0x0, s20;
	[sflag:s22] =	ssyncset.done $0x0  }
0xa6: {  	[sflag:s22] =	ssyncadd.s32 s5;
	_ =	sdelay $0x1  }
0xa7: {  	s23 =	simm.s32 $0x1B8B  }
0xa8: {  	_ =	swait.ge [sflag:s23], $0x1  }
0xa9: {  	[sflag:s23] =	ssyncset.done $0x0  }
0xaa: {  	s25 =	simm.s32 $0x1B8E;
	s24 =	sld [smem:$0x3FFE];
	[sflag:s23] =	ssyncadd.s32 $0xFFFFFFFF  }
0xab: {  	s26 =	simm.s32 $execute0_lowered;
	[smem:$0x3FD2] =	sst s25  }
0xac: {  	s6 =	sshll.u32 s26, $0x1;
	_ =	strace $0x80000049;
	[dreg:$0x1] =	wrdreg $0xFFFFFFFF  }
0xad: {  	s28 =	simm.s32 $_size_execute0_lowered;
	s4 =	sadd.s32 s4, s6;
	[dreg:$0x0] =	wrdreg $0x0  }
0xae: {  	s6 =	sshll.u32 s28, $0x1;
	[dreg:$0x2] =	wrdreg s4  }
0xaf: {  	[dreg:$0x3] =	wrdreg s6  }
0xb0: {  	[dreg:$0x4] =	wrdreg $0xC0  }
0xb1: {  	_ =	task [dreg:s8], $0x5FFFF  }
0xb2: {  	[dreg:$0x1] =	wrdreg $0xFFFFFFFF  }
0xb3: {  	[dreg:$0x0] =	wrdreg $0x60  }
0xb4: {  	[dreg:$0x2] =	wrdreg s16  }
0xb5: {  	[dreg:$0x3] =	wrdreg s24  }
0xb6: {  	[dreg:$0x4] =	wrdreg s17  }
0xb7: {  	[dreg:$0x5] =	wrdreg $0x91000  }
0xb8: {  	[dreg:$0x6] =	wrdreg $0x12D400  }
0xb9: {  	[dreg:$0x7] =	wrdreg $0x9  }
0xba: {  	_ =	task.clear_ibuf [dreg:s8], $0x8FFFF;
	_ =	strace $0x90000049  }
0xbb: {  	s29 =	simm.s32 $0x9;
	_ =	strace $0x8000004B  }
0xbc: {  	_ =	swait.ge [sflag:s29], $0x1  }
0xbd: {  	[sflag:s29] =	ssyncadd.s32 $0xFFFFFFFF  }
0xbe: {  	_ =	strace $0x9000004B  }
0xbf: {  	_ =	sfence  }
0xc0: {  	s30 =	sld [smem:$0x0];
	_ =	sdelay $0x2  }
0xc1: {  	s31 =	sshll.u32 s1, $0xD;
	s1 =	sshrl.u32 s1, $0x2  }
0xc2: {  	s3 =	sand.u32 $0x4000, s31;
	s1 =	sadd.s32 s1, s30  }
0xc3: {  	s0 =	sor.u32 s3, s0;
	s1 =	sshll.u32 s1, $0x11  }
0xc4: {  	s0 =	sor.u32 s1, s0  }
0xc5: {  	s0 =	sadd.s32 $0x8F2B, s0  }
0xc6: {  	[sflag:s0] =	ssyncadd.remote.s32 $0x1  }
0xc7: {  	_ =	sfence.sel $0xFFFF  }
0xc8: {  	[dreg:$0x0] =	wrdreg $0xFFFFFFFF;
	(pc) =	sbr.abs _section_cstart, $3  }
0xc9: {  	[dreg:$0x1] =	wrdreg $0xFFFFFFFF  }
0xca: {  	_ =	task.clear_ibuf [dreg:s8], $0x2FFFF;
	_ =	strace $0x9FFFFFFF  }
0xcb: {  	(tm) =	ssettm $0x7FFFFFFF  }
tec
execute0_lowered:
.L_overlay_start_1:
0x0: {  	(tag) =	ssettag $0x1  }
0x1: {  	s8 =	rddreg [dreg:$0x0]  }
0x2: {  	s6 =	rddreg [dreg:$0x1]  }
0x3: {  	s1 =	srdreg.scid;
	s10 =	rddreg [dreg:$0x2]  }
0x4: {  	s0 =	stileid.u32;
	s2 =	rddreg [dreg:$0x3]  }
0x5: {  	s3 =	rddreg [dreg:$0x4];
	s4 =	simm.s32 $0x0;
	s19 =	simm.s32 $0x1  }
0x6: {  	s20 =	simm.s32 $0x2;
	s21 =	simm.s32 $0x3;
	s22 =	simm.s32 $0x4  }
0x7: {  	s23 =	simm.s32 $0x80;
	s24 =	simm.s32 $0x5100;
	s11 =	smul.u32 $0x9E00, s0  }
0x8: {  	s7 =	sand.u32 $0x1, s1;
	s28 =	sshll.u32 s0, $0x1;
	s14 =	smul.u32 $0x9C40, s0  }
0x9: {  	s25 =	simm.s32 $0x7100;
	s1 =	sor.u32 s7, s28;
	s12 =	smul.u32 $0x9E000, s7  }
0xa: {  	s26 =	simm.s32 $0x0;
	[smem:$0x7FF] =	sst s4;
	s5 =	smul.u32 $0x510, s1  }
0xb: {  	s17 =	sshll.u32 s0, $0x6;
	s7 =	ssub.s32 $0x2, s7;
	s9 =	smul.u32 $0x500, s1  }
0xc: {  	s1 =	rddreg [dreg:$0x5];
	_ =	strace $0x8000004A;
	s29 =	sshrl.u32 s7, $0x1  }
0xd: {  	s16 =	sadd.s32 s14, s2;
	s30 =	sshrl.u32 s14, $0x3;
	s31 =	sshrl.u32 s11, $0x3  }
0xe: {  	s18 =	sadd.s32 s11, s3;
	s14 =	simm.s32 $0x5080;
	s12 =	sadd.s32 s11, s12  }
0xf: {  	s15 =	ssub.s32 s7, s29;
	s8 =	sadd.s32 s8, s30;
	s10 =	sadd.s32 s10, s31  }
0x10: {  	s13 =	sadd.s32 s5, s6;
	s9 =	sadd.s32 s9, s6;
	s12 =	sshrl.u32 s12, $0x3  }
0x11: {  	s5 =	sadd.s32 $0xBC00, s6;
	s12 =	sadd.s32 s12, s6;
	s6 =	sadd.s32 $0xBE00, s13  }
0x12: {  	s7 =	sadd.s32 $0x1C00, s9;
	s9 =	sor.u32 $0x1C04, s17;
	s13 =	simm.s32 $0x2880  }
0x13: {  	s11 =	sadd.s32 $0x16000, s12;
	s12 =	smax.u32 s15, $0x1;
	s15 =	sshrl.u32 s16, $0x3  }
0x14: {  	s16 =	sor.u32 $0x1C05, s17;
	s17 =	sshrl.u32 s18, $0x3;
	s18 =	simm.s32 $0x5  }
.LBB2_1:
0x15: {  	[tilespmem:s4], [sflag:$0x1] =	stream.linear.gather [hbm4b:s6+s4], $0x2880, $0x38;
	[tilespmem:$0x1CB40] =	vst v63  }
0x16: {  	_ = 	snop  }
0x17: {  	[tilespmem:s13], [sflag:$0x2] =	stream.linear.gather [hbm4b:s7+s4], $0x2800, $0x38;
	[tilespmem:$0x1CB40] =	vst v63  }
0x18: {  	_ = 	snop  }
0x19: {  	[tilespmem:s14], [sflag:$0x3] =	stream.linear.gather [hbm4b:s5+s4], $0x80, $0x38;
	[tilespmem:$0x1CB40] =	vst v63  }
0x1a: {  	[spmem:s15], [sflag:s9] =	dma.local [hbm:s8], $0x1388  }
0x1b: {  	[spmem:s17], [sflag:s16] =	dma.local [hbm:s10], $0x13C0  }
0x1c: {  	_ =	swait.ge [sflag:s18], $0x13C0  }
0x1d: {  	[sflag:s18] =	ssyncset.done $0x0  }
0x1e: {  	[sflag:s18] =	ssyncadd.s32 $0xFFFFEC40  }
0x1f: {  	_ =	swait.ge [sflag:s19], $0x2880  }
0x20: {  	[sflag:s19] =	ssyncset.done $0x0  }
0x21: {  	[sflag:s19] =	ssyncadd.s32 $0xFFFFD780  }
0x22: {  	_ =	swait.ge [sflag:s20], $0x2800  }
0x23: {  	[sflag:s20] =	ssyncset.done $0x0  }
0x24: {  	[sflag:s20] =	ssyncadd.s32 $0xFFFFD800  }
0x25: {  	_ =	swait.ge [sflag:s21], $0x80  }
0x26: {  	[sflag:s21] =	ssyncset.done $0x0  }
0x27: {  	[sflag:s21] =	ssyncadd.s32 $0xFFFFFF80  }
0x28: {  	_ =	swait.ge [sflag:s22], $0x1388  }
0x29: {  	[sflag:s22] =	ssyncset.done $0x0  }
0x2a: {  	[sflag:s22] =	ssyncadd.s32 $0xFFFFEC78  }
0x2b: {  	[bflag:$0x0] =	sbarrier.arrive $0xFFFF  }
0x2c: {  	[tilespmem:s24], [sflag:$0x1] =	stream.indirect.gather [spmem:s2], $0x40, s4, s23, $0xb8;
	[tilespmem:$0x1CB40] =	vst v63  }
0x2d: {  	_ = 	snop  }
0x2e: {  	[spmem:s3] =	stream.indirect.scatter.add.f32 [tilespmem:s25], [sflag:$0x4], $0x40, s14, s23, $0xb8;
	[tilespmem:$0x1CB40] =	vst v63  }
0x2f: {  	_ =	swait.ge [sflag:s22], $0x2000  }
0x30: {  	[sflag:s22] =	ssyncset.done $0x0  }
0x31: {  	[sflag:s22] =	ssyncadd.s32 $0xFFFFE000  }
0x32: {  	_ =	swait.ge [sflag:s19], $0x2000  }
0x33: {  	[sflag:s19] =	ssyncset.done $0x0  }
0x34: {  	s28 =	simm.s32 $0x80;
	[sflag:s19] =	ssyncadd.s32 $0xFFFFE000  }
0x35: {  	[tilespmem:s25], [sflag:$0x2] =	stream.indirect.gather [spmem:s2], $0x40, s28, s23, $0xb8;
	[tilespmem:$0x1CB40] =	vst v63  }
0x36: {  	s28 =	simm.s32 $0x2880  }
0x37: {  	[spmem:s3] =	stream.indirect.scatter.add.f32 [tilespmem:s24], [sflag:$0x3], $0x40, s28, s23, $0xb8;
	[tilespmem:$0x1CB40] =	vst v63  }
0x38: {  	_ =	swait.ge [sflag:s21], $0x2000  }
0x39: {  	[sflag:s21] =	ssyncset.done $0x0  }
0x3a: {  	[sflag:s21] =	ssyncadd.s32 $0xFFFFE000  }
0x3b: {  	_ =	swait.ge [sflag:s20], $0x2000  }
0x3c: {  	[sflag:s20] =	ssyncset.done $0x0  }
0x3d: {  	s28 =	simm.s32 $0x100;
	[sflag:s20] =	ssyncadd.s32 $0xFFFFE000  }
0x3e: {  	[tilespmem:s24], [sflag:$0x1] =	stream.indirect.gather [spmem:s2], $0x40, s28, s23, $0xb8;
	[tilespmem:$0x1CB40] =	vst v63  }
0x3f: {  	s29 =	simm.s32 $0x2900;
	s28 =	simm.s32 $0x400  }
.LBB2_2:
0x40: {  	[spmem:s3] =	stream.indirect.scatter.add.f32 [tilespmem:s25], [sflag:$0x4], $0x40, s29, s23, $0xb8;
	[tilespmem:$0x1CB40] =	vst v63  }
0x41: {  	s29 =	smov.u32 s28  }
0x42: {  	p0 =	sne.s32 s28, $0x9C00;
	s28 =	sadd.s32 $0x400, s28;
	_ =	swait.ge [sflag:s22], $0x2000  }
0x43: {  	[sflag:s22] =	ssyncset.done $0x0  }
0x44: {  	[sflag:s22] =	ssyncadd.s32 $0xFFFFE000  }
0x45: {  	_ =	swait.ge [sflag:s19], $0x2000  }
0x46: {  	s29 =	sshra.s32 s29, $0x2;
	[sflag:s19] =	ssyncset.done $0x0  }
0x47: {  	s30 =	sadd.s32 $0x80, s29;
	[sflag:s19] =	ssyncadd.s32 $0xFFFFE000  }
0x48: {  	[tilespmem:s25], [sflag:$0x2] =	stream.indirect.gather [spmem:s2], $0x40, s30, s23, $0xb8;
	[tilespmem:$0x1CB40] =	vst v63  }
0x49: {  	s30 =	sadd.s32 $0x2880, s29  }
0x4a: {  	[spmem:s3] =	stream.indirect.scatter.add.f32 [tilespmem:s24], [sflag:$0x3], $0x40, s30, s23, $0xb8;
	[tilespmem:$0x1CB40] =	vst v63  }
0x4b: {  	_ =	swait.ge [sflag:s21], $0x2000  }
0x4c: {  	[sflag:s21] =	ssyncset.done $0x0  }
0x4d: {  	[sflag:s21] =	ssyncadd.s32 $0xFFFFE000  }
.Ltmp0:
0x4e: {  	_ =	swait.ge [sflag:s20], $0x2000;
	(pc) =	sbr.rel @p0 .LBB2_2-.Ltmp0, $4  }
0x4f: {  	[sflag:s20] =	ssyncset.done $0x0  }
0x50: {  	s30 =	sadd.s32 $0x100, s29;
	[sflag:s20] =	ssyncadd.s32 $0xFFFFE000  }
0x51: {  	[tilespmem:s24], [sflag:$0x1] =	stream.indirect.gather [spmem:s2], $0x40, s30, s23, $0xb8;
	[tilespmem:$0x1CB40] =	vst v63  }
0x52: {  	s29 =	sadd.s32 $0x2900, s29  }
0x53: {  	[spmem:s3] =	stream.indirect.scatter.add.f32 [tilespmem:s25], [sflag:$0x4], $0x40, s29, s23, $0xb8;
	[tilespmem:$0x1CB40] =	vst v63  }
0x54: {  	_ =	swait.ge [sflag:s22], $0x2000  }
0x55: {  	[sflag:s22] =	ssyncset.done $0x0  }
0x56: {  	[sflag:s22] =	ssyncadd.s32 $0xFFFFE000  }
0x57: {  	_ =	swait.ge [sflag:s19], $0x2000  }
0x58: {  	s26 =	sadd.s32 $0x1, s26;
	[sflag:s19] =	ssyncset.done $0x0  }
0x59: {  	p0 =	sne.s32 s26, s12;
	[sflag:s19] =	ssyncadd.s32 $0xFFFFE000  }
.Ltmp1:
0x5a: {  	[bflag:$0x0] =	sbarrier.arrive $0xFFFF;
	(pc) =	sbr.rel @p0 .LBB2_1-.Ltmp1, $4  }
0x5b: {  	[hbm:s11], [sflag:s16] =	dma.local [spmem:s17], $0x13C0  }
0x5c: {  	_ =	swait.ge [sflag:s18], $0x13C0  }
0x5d: {  	[sflag:s18] =	ssyncset.done $0x0  }
0x5e: {  	[sflag:s18] =	ssyncadd.s32 $0xFFFFEC40  }
0x5f: {  	_ =	sfence.sel $0x180000  }
0x60: {  	[bflag:$0x0] =	sbarrier.arrive $0xFFFF  }
0x61: {  	p0 =	sne.s32 s0, $0x0;
	_ =	strace $0x9000004A  }
0x62: {  	s0 =	sadd.s32 @!p0 $0x100000, s1;
	[bflag:$0x2] =	sbarrier.arrive $0xFFFF  }
0x63: {  	[sflag:s0] =	ssyncadd.tile.s32 @!p0 $0x1;
	_ =	shalt  }
.Lfunc_end2:
_tile_overlayer_lowered:
.L_overlay_start_2:
0x64: {  	(tag) =	ssettag $0x2  }
0x65: {  	s0 =	rddreg [dreg:$0x0];
	s2 =	stileid.u32  }
0x66: {  	s1 =	rddreg [dreg:$0x1];
	p0 =	sne.s32 s2, $0x0  }
0x67: {  	s3 =	rddreg [dreg:$0x2];
	[bflag:$0x3] =	sbarrier.arrive $0xFFFF;
	s2 =	simm.s32 @!p0 $0x1C05  }
0x68: {  	[timem:s3], [sflag:s2] =	dma.local @!p0 [hbm:s0], s1  }
0x69: {  	s0 =	simm.s32 @!p0 $0x5  }
0x6a: {  	_ =	swait.ge @!p0 [sflag:s0], s1  }
0x6b: {  	s1 =	ssub.s32 @!p0 $0x0, s1;
	[sflag:s0] =	ssyncset.done @!p0 $0x0  }
0x6c: {  	[sflag:s0] =	ssyncadd.s32 @!p0 s1  }
0x6d: {  	[bflag:$0x3] =	sbarrier.arrive $0xFFFF  }
0x6e: {  	_ =	shalt  }

// kernel: kernel.14.cloned.1.call-start
scs
__scs_entry_jumppad:
0x0: {  	(pc) =	sbr.rel $0x88, $3  }
0x1: {  	(tag) =	ssettag $0x0;
	lr =	simm.s32 $0x1  }
0x2: {  	[smem:$0x3F99] =	sst lr;
	_ =	strace $0xD0000000  }
0x3: {  	_ = 	snop  }
0x4: {  	_ = 	snop  }
0x5: {  	_ = 	snop  }
0x6: {  	_ = 	snop  }
0x7: {  	_ = 	snop  }
__scs_overlays_trampoline_lowered:
0x8: {  	[smem:$0x3FA8] =	sst s0  }
0x9: {  	[smem:$0x3FA9] =	sst s1  }
0xa: {  	[smem:$0x3FAA] =	sst s2  }
0xb: {  	[smem:$0x3FAB] =	sst s3  }
0xc: {  	[smem:$0x3FAC] =	sst s4  }
0xd: {  	[smem:$0x3FAD] =	sst s5  }
0xe: {  	[smem:$0x3FAE] =	sst s6  }
0xf: {  	[smem:$0x3FAF] =	sst s7  }
0x10: {  	[smem:$0x3FB0] =	sst s8  }
0x11: {  	[smem:$0x3FB1] =	sst s9;
	s0 =	simm.s32 @!p0 $0x0  }
0x12: {  	s1 =	sld [smem:$0x3F97];
	s0 =	simm.s32 @p0 $0x1  }
0x13: {  	[smem:$0x3FB2] =	sst s0;
	s0 =	simm.s32 @!p1 $0x0  }
0x14: {  	s2 =	sld [smem:$0x3F96];
	s0 =	simm.s32 @p1 $0x1  }
0x15: {  	[smem:$0x3FB3] =	sst s0;
	s0 =	simm.s32 @!p2 $0x0  }
0x16: {  	s3 =	sld [smem:$0x3FDB];
	s0 =	simm.s32 @p2 $0x1  }
0x17: {  	s4 =	simm.s32 $0x1BF5;
	[smem:$0x3FB5] =	sst s0  }
0x18: {  	s0 =	sld [smem:$0x3F98];
	_ =	swait.ge [sflag:s4], $0x0  }
0x19: {  	s7 =	sld [smem:$0x3F99]  }
0x1a: {  	s8 =	sadd.s32 $0xFFFFE003, lr  }
0x1b: {  	s9 =	sadd.s32 $0xFFFFFEF7, lr;
	s5 =	simm.s32 $0xFFFFFFFF;
	p2 =	slt.u32 s8, $0xFFFFF086  }
0x1c: {  	p1 =	slt.u32 s9, $0xF7A;
	s5 =	simm.s32 @!p2 $0x0  }
0x1d: {  	s5 =	simm.s32 @p1 $0x1;
	p0 =	seq.s32 s7, s2  }
0x1e: {  	s7 =	smul.u32 @!p0 $0xF7A, s2;
	p2 =	seq.s32 @!p0 s5, $0x0  }
0x1f: {  	s9 =	smul.u32 $0xF7A, s1;
	s8 =	simm.s32 @!p0 $0x1BF5;
	p2 =	por !p2, p0  }
0x20: {  	[sflag:s8] =	ssyncset.s32 @!p0 $0xFFFFF086;
	s6 =	sadd.s32 @!p0 s3, s7;
	s7 =	simm.s32 @!p0 $0x108  }
0x21: {  	s3 =	sadd.s32 s3, s9;
	s6 =	sadd.s32 @!p0 $0x88, s6;
	s7 =	simm.s32 @p2 $0x1082  }
0x22: {  	[simem:s7], [sflag:s8] =	dma.local @!p0 [hbm:s6], $0xF7A  }
0x23: {  	s9 =	sor.u32 $0xD0000000, s2;
	s6 =	simm.s32 $0x108;
	_ =	swait.ge @!p0 [sflag:s8], $0x0  }
0x24: {  	s3 =	sadd.s32 $0x88, s3;
	s6 =	simm.s32 @!p1 $0x1082;
	[sflag:s4] =	ssyncset.s32 $0xFFFFF086  }
0x25: {  	[simem:s6], [sflag:s4] =	dma.local [hbm:s3], $0xF7A  }
0x26: {  	[smem:$0x3F99] =	sst s1;
	(tag) =	ssettag s2;
	_ =	strace s9  }
0x27: {  	s1 =	sld [smem:$0x3FA9]  }
0x28: {  	s2 =	sld [smem:$0x3FAA]  }
0x29: {  	s4 =	sld [smem:$0x3FAC]  }
0x2a: {  	p0 =	seq.s32 s5, $0x0;
	s5 =	sld [smem:$0x3FAD]  }
0x2b: {  	s6 =	sld [smem:$0x3FAE]  }
0x2c: {  	s7 =	sld [smem:$0x3FAF]  }
0x2d: {  	s3 =	simm.s32 $0x108;
	s8 =	sld [smem:$0x3FB0]  }
0x2e: {  	s3 =	simm.s32 @!p0 $0x1082;
	s9 =	sld [smem:$0x3FB1]  }
0x2f: {  	lr =	sadd.s32 s0, s3;
	s0 =	sld [smem:$0x3FA8]  }
0x30: {  	s3 =	sld [smem:$0x3FAB]  }
0x31: {  	[smem:$0x3FB4] =	sst s10  }
0x32: {  	s10 =	sld [smem:$0x3FB2];
	_ =	sdelay $0x3  }
0x33: {  	p0 =	seq.s32 s10, $0x1;
	s10 =	sld [smem:$0x3FB4];
	_ =	sdelay $0x3  }
0x34: {  	[smem:$0x3FB4] =	sst s10  }
0x35: {  	s10 =	sld [smem:$0x3FB3];
	_ =	sdelay $0x3  }
0x36: {  	p1 =	seq.s32 s10, $0x1;
	s10 =	sld [smem:$0x3FB4];
	_ =	sdelay $0x3  }
0x37: {  	[smem:$0x3FB4] =	sst s10  }
0x38: {  	s10 =	sld [smem:$0x3FB5]  }
0x39: {  	_ = 	snop;
	(pc) =	sbr.ind lr, $3  }
0x3a: {  	_ = 	snop  }
0x3b: {  	_ = 	snop  }
0x3c: {  	p2 =	seq.s32 s10, $0x1;
	s10 =	sld [smem:$0x3FB4]  }
0x3d: {  	_ =	shalt  }
0x3e: {  	_ =	shalt  }
0x3f: {  	_ =	shalt  }
0x40: {  	_ =	shalt  }
0x41: {  	_ =	shalt  }
0x42: {  	_ =	shalt  }
0x43: {  	_ =	shalt  }
0x44: {  	_ =	shalt  }
0x45: {  	_ =	shalt  }
0x46: {  	_ =	shalt  }
0x47: {  	_ =	shalt  }
0x48: {  	_ =	shalt  }
0x49: {  	_ =	shalt  }
0x4a: {  	_ =	shalt  }
0x4b: {  	_ =	shalt  }
0x4c: {  	_ =	shalt  }
0x4d: {  	_ =	shalt  }
0x4e: {  	_ =	shalt  }
0x4f: {  	_ =	shalt  }
0x50: {  	_ =	shalt  }
0x51: {  	_ =	shalt  }
0x52: {  	_ =	shalt  }
0x53: {  	_ =	shalt  }
0x54: {  	_ =	shalt  }
0x55: {  	_ =	shalt  }
0x56: {  	_ =	shalt  }
0x57: {  	_ =	shalt  }
0x58: {  	_ =	shalt  }
0x59: {  	_ =	shalt  }
0x5a: {  	_ =	shalt  }
0x5b: {  	_ =	shalt  }
0x5c: {  	_ =	shalt  }
0x5d: {  	_ =	shalt  }
0x5e: {  	_ =	shalt  }
0x5f: {  	_ =	shalt  }
0x60: {  	_ =	shalt  }
0x61: {  	_ =	shalt  }
0x62: {  	_ =	shalt  }
0x63: {  	_ =	shalt  }
0x64: {  	_ =	shalt  }
0x65: {  	_ =	shalt  }
0x66: {  	_ =	shalt  }
0x67: {  	_ =	shalt  }
0x68: {  	_ =	shalt  }
0x69: {  	_ =	shalt  }
0x6a: {  	_ =	shalt  }
0x6b: {  	_ =	shalt  }
0x6c: {  	_ =	shalt  }
0x6d: {  	_ =	shalt  }
0x6e: {  	_ =	shalt  }
0x6f: {  	_ =	shalt  }
0x70: {  	_ =	shalt  }
0x71: {  	_ =	shalt  }
0x72: {  	_ =	shalt  }
0x73: {  	_ =	shalt  }
0x74: {  	_ =	shalt  }
0x75: {  	_ =	shalt  }
0x76: {  	_ =	shalt  }
0x77: {  	_ =	shalt  }
0x78: {  	_ =	shalt  }
0x79: {  	_ =	shalt  }
0x7a: {  	_ =	shalt  }
0x7b: {  	_ =	shalt  }
0x7c: {  	_ =	shalt  }
0x7d: {  	_ =	shalt  }
0x7e: {  	_ =	shalt  }
0x7f: {  	_ =	shalt  }
0x80: {  	_ =	shalt  }
0x81: {  	_ =	shalt  }
0x82: {  	_ =	shalt  }
0x83: {  	_ =	shalt  }
0x84: {  	_ =	shalt  }
0x85: {  	_ =	shalt  }
0x86: {  	_ =	shalt  }
0x87: {  	_ =	shalt  }
.Lfunc_end0:
.L_simem_size_0:
called_computation.2_lowered:
.L_overlay_start_0:
0x88: {  	s2 =	sld [smem:$0x3FD9]  }
0x89: {  	s3 =	sld [smem:$0x3FFE];
	_ =	sdelay $0x1  }
0x8a: {  	s1 =	srdreg.scid  }
0x8b: {  	s0 =	sand.u32 $0x1, s1  }
0x8c: {  	s14 =	sshll.u32 s0, $0xA;
	s2 =	sadd.s32 s3, s2  }
0x8d: {  	s2 =	sadd.s32 s2, s14  }
0x8e: {  	[smem:$0x3FC0] =	sst s2  }
0x8f: {  	_ = 	snop  }
0x90: {  	s2 =	sld [smem:$0x3FD0];
	_ =	sdelay $0x2  }
0x91: {  	s15 =	simm.s32 $0xA;
	s4 =	simm.s32 $0x10  }
0x92: {  	[smem:s4], [sflag:s15] =	dma.local [hbm:s2], $0x1  }
0x93: {  	_ =	swait.eq [sflag:s15], $0x1  }
0x94: {  	[sflag:s15] =	ssyncset.done $0x0  }
0x95: {  	s16 =	sld [smem:$0x10];
	[sflag:s15] =	ssyncadd.s32 $0xFFFFFFFF  }
0x96: {  	s17 =	sld [smem:$0x11];
	(tm) =	ssettm $0x1  }
0x97: {  	s18 =	sld [smem:$0x3FFB];
	_ =	sdelay $0x3  }
0x98: {  	_ =	strace s18  }
0x99: {  	s4 =	sld [smem:$0x3FFC];
	_ =	sdelay $0x3  }
0x9a: {  	_ =	strace s4  }
0x9b: {  	s4 =	sld [smem:$0x3FFD];
	_ =	sdelay $0x3  }
0x9c: {  	_ =	strace s4  }
0x9d: {  	_ =	strace $0x8FFFFFFF  }
0x9e: {  	s19 =	sld [smem:$0x3FDB];
	_ =	sdelay $0x1  }
0x9f: {  	s5 =	simm.s32 $_scs_section_size  }
0xa0: {  	s6 =	simm.s32 $_size__tile_overlayer_lowered;
	s7 =	simm.s32 $_tile_overlayer_lowered  }
0xa1: {  	s22 =	simm.s32 $0x1BFF;
	s21 =	sshll.u32 s7, $0x1;
	s4 =	sadd.s32 s5, s19  }
0xa2: {  	s8 =	simm.s32 $0x0;
	s20 =	sshll.u32 s6, $0x1;
	s6 =	sadd.s32 s21, s4  }
0xa3: {  	[timem:s8], [sflag:s22] =	dma.local [hbm:s6], s20  }
0xa4: {  	_ =	swait.ge [sflag:s22], s20  }
0xa5: {  	s5 =	ssub.s32 $0x0, s20;
	[sflag:s22] =	ssyncset.done $0x0  }
0xa6: {  	[sflag:s22] =	ssyncadd.s32 s5;
	_ =	sdelay $0x1  }
0xa7: {  	s23 =	simm.s32 $0x1B8B  }
0xa8: {  	_ =	swait.ge [sflag:s23], $0x1  }
0xa9: {  	[sflag:s23] =	ssyncset.done $0x0  }
0xaa: {  	s25 =	simm.s32 $0x1B8E;
	s24 =	sld [smem:$0x3FFE];
	[sflag:s23] =	ssyncadd.s32 $0xFFFFFFFF  }
0xab: {  	s26 =	simm.s32 $execute0_lowered;
	[smem:$0x3FD2] =	sst s25  }
0xac: {  	s6 =	sshll.u32 s26, $0x1;
	_ =	strace $0x8000004C;
	[dreg:$0x1] =	wrdreg $0xFFFFFFFF  }
0xad: {  	s28 =	simm.s32 $_size_execute0_lowered;
	s4 =	sadd.s32 s4, s6;
	[dreg:$0x0] =	wrdreg $0x0  }
0xae: {  	s6 =	sshll.u32 s28, $0x1;
	[dreg:$0x2] =	wrdreg s4  }
0xaf: {  	[dreg:$0x3] =	wrdreg s6  }
0xb0: {  	[dreg:$0x4] =	wrdreg $0xC0  }
0xb1: {  	_ =	task [dreg:s8], $0x5FFFF  }
0xb2: {  	[dreg:$0x1] =	wrdreg $0xFFFFFFFF  }
0xb3: {  	[dreg:$0x0] =	wrdreg $0x60  }
0xb4: {  	[dreg:$0x2] =	wrdreg s16  }
0xb5: {  	[dreg:$0x3] =	wrdreg s24  }
0xb6: {  	[dreg:$0x4] =	wrdreg s17  }
0xb7: {  	[dreg:$0x5] =	wrdreg $0x91000  }
0xb8: {  	[dreg:$0x6] =	wrdreg $0x12D400  }
0xb9: {  	[dreg:$0x7] =	wrdreg $0x9  }
0xba: {  	_ =	task.clear_ibuf [dreg:s8], $0x8FFFF;
	_ =	strace $0x9000004C  }
0xbb: {  	s29 =	simm.s32 $0x9;
	_ =	strace $0x8000004E  }
0xbc: {  	_ =	swait.ge [sflag:s29], $0x1  }
0xbd: {  	[sflag:s29] =	ssyncadd.s32 $0xFFFFFFFF  }
0xbe: {  	_ =	strace $0x9000004E  }
0xbf: {  	_ =	sfence  }
0xc0: {  	s30 =	sld [smem:$0x0];
	_ =	sdelay $0x2  }
0xc1: {  	s31 =	sshll.u32 s1, $0xD;
	s1 =	sshrl.u32 s1, $0x2  }
0xc2: {  	s3 =	sand.u32 $0x4000, s31;
	s1 =	sadd.s32 s1, s30  }
0xc3: {  	s0 =	sor.u32 s3, s0;
	s1 =	sshll.u32 s1, $0x11  }
0xc4: {  	s0 =	sor.u32 s1, s0  }
0xc5: {  	s0 =	sadd.s32 $0x8F2B, s0  }
0xc6: {  	[sflag:s0] =	ssyncadd.remote.s32 $0x1  }
0xc7: {  	_ =	sfence.sel $0xFFFF  }
0xc8: {  	[dreg:$0x0] =	wrdreg $0xFFFFFFFF;
	(pc) =	sbr.abs _section_cstart, $3  }
0xc9: {  	[dreg:$0x1] =	wrdreg $0xFFFFFFFF  }
0xca: {  	_ =	task.clear_ibuf [dreg:s8], $0x2FFFF;
	_ =	strace $0x9FFFFFFF  }
0xcb: {  	(tm) =	ssettm $0x7FFFFFFF  }
tec
execute0_lowered:
.L_overlay_start_1:
0x0: {  	(tag) =	ssettag $0x1  }
0x1: {  	s8 =	rddreg [dreg:$0x0]  }
0x2: {  	s6 =	rddreg [dreg:$0x1]  }
0x3: {  	s1 =	srdreg.scid;
	s10 =	rddreg [dreg:$0x2]  }
0x4: {  	s0 =	stileid.u32;
	s2 =	rddreg [dreg:$0x3]  }
0x5: {  	s3 =	rddreg [dreg:$0x4];
	s4 =	simm.s32 $0x0;
	s19 =	simm.s32 $0x1  }
0x6: {  	s20 =	simm.s32 $0x2;
	s21 =	simm.s32 $0x3;
	s22 =	simm.s32 $0x4  }
0x7: {  	s23 =	simm.s32 $0x80;
	s24 =	simm.s32 $0x5100;
	s11 =	smul.u32 $0x9E00, s0  }
0x8: {  	s7 =	sand.u32 $0x1, s1;
	s28 =	sshll.u32 s0, $0x1;
	s14 =	smul.u32 $0x9C40, s0  }
0x9: {  	s25 =	simm.s32 $0x7100;
	s1 =	sor.u32 s7, s28;
	s12 =	smul.u32 $0x9E000, s7  }
0xa: {  	s26 =	simm.s32 $0x0;
	[smem:$0x7FF] =	sst s4;
	s5 =	smul.u32 $0x510, s1  }
0xb: {  	s17 =	sshll.u32 s0, $0x6;
	s7 =	ssub.s32 $0x2, s7;
	s9 =	smul.u32 $0x500, s1  }
0xc: {  	s1 =	rddreg [dreg:$0x5];
	_ =	strace $0x8000004D;
	s29 =	sshrl.u32 s7, $0x1  }
0xd: {  	s16 =	sadd.s32 s14, s2;
	s30 =	sshrl.u32 s14, $0x3;
	s31 =	sshrl.u32 s11, $0x3  }
0xe: {  	s18 =	sadd.s32 s11, s3;
	s14 =	simm.s32 $0x5080;
	s12 =	sadd.s32 s11, s12  }
0xf: {  	s15 =	ssub.s32 s7, s29;
	s8 =	sadd.s32 s8, s30;
	s10 =	sadd.s32 s10, s31  }
0x10: {  	s13 =	sadd.s32 s5, s6;
	s9 =	sadd.s32 s9, s6;
	s12 =	sshrl.u32 s12, $0x3  }
0x11: {  	s5 =	sadd.s32 $0xBC00, s6;
	s12 =	sadd.s32 s12, s6;
	s6 =	sadd.s32 $0xBE00, s13  }
0x12: {  	s7 =	sadd.s32 $0x1C00, s9;
	s9 =	sor.u32 $0x1C04, s17;
	s13 =	simm.s32 $0x2880  }
0x13: {  	s11 =	sadd.s32 $0x16000, s12;
	s12 =	smax.u32 s15, $0x1;
	s15 =	sshrl.u32 s16, $0x3  }
0x14: {  	s16 =	sor.u32 $0x1C05, s17;
	s17 =	sshrl.u32 s18, $0x3;
	s18 =	simm.s32 $0x5  }
.LBB2_1:
0x15: {  	[tilespmem:s4], [sflag:$0x1] =	stream.linear.gather [hbm4b:s6+s4], $0x2880, $0x38;
	[tilespmem:$0x1CB40] =	vst v63  }
0x16: {  	_ = 	snop  }
0x17: {  	[tilespmem:s13], [sflag:$0x2] =	stream.linear.gather [hbm4b:s7+s4], $0x2800, $0x38;
	[tilespmem:$0x1CB40] =	vst v63  }
0x18: {  	_ = 	snop  }
0x19: {  	[tilespmem:s14], [sflag:$0x3] =	stream.linear.gather [hbm4b:s5+s4], $0x80, $0x38;
	[tilespmem:$0x1CB40] =	vst v63  }
0x1a: {  	[spmem:s15], [sflag:s9] =	dma.local [hbm:s8], $0x1388  }
0x1b: {  	[spmem:s17], [sflag:s16] =	dma.local [hbm:s10], $0x13C0  }
0x1c: {  	_ =	swait.ge [sflag:s18], $0x13C0  }
0x1d: {  	[sflag:s18] =	ssyncset.done $0x0  }
0x1e: {  	[sflag:s18] =	ssyncadd.s32 $0xFFFFEC40  }
0x1f: {  	_ =	swait.ge [sflag:s19], $0x2880  }
0x20: {  	[sflag:s19] =	ssyncset.done $0x0  }
0x21: {  	[sflag:s19] =	ssyncadd.s32 $0xFFFFD780  }
0x22: {  	_ =	swait.ge [sflag:s20], $0x2800  }
0x23: {  	[sflag:s20] =	ssyncset.done $0x0  }
0x24: {  	[sflag:s20] =	ssyncadd.s32 $0xFFFFD800  }
0x25: {  	_ =	swait.ge [sflag:s21], $0x80  }
0x26: {  	[sflag:s21] =	ssyncset.done $0x0  }
0x27: {  	[sflag:s21] =	ssyncadd.s32 $0xFFFFFF80  }
0x28: {  	_ =	swait.ge [sflag:s22], $0x1388  }
0x29: {  	[sflag:s22] =	ssyncset.done $0x0  }
0x2a: {  	[sflag:s22] =	ssyncadd.s32 $0xFFFFEC78  }
0x2b: {  	[bflag:$0x0] =	sbarrier.arrive $0xFFFF  }
0x2c: {  	[tilespmem:s24], [sflag:$0x1] =	stream.indirect.gather [spmem:s2], $0x40, s4, s23, $0xb8;
	[tilespmem:$0x1CB40] =	vst v63  }
0x2d: {  	_ = 	snop  }
0x2e: {  	[spmem:s3] =	stream.indirect.scatter.add.f32 [tilespmem:s25], [sflag:$0x4], $0x40, s14, s23, $0xb8;
	[tilespmem:$0x1CB40] =	vst v63  }
0x2f: {  	_ =	swait.ge [sflag:s22], $0x2000  }
0x30: {  	[sflag:s22] =	ssyncset.done $0x0  }
0x31: {  	[sflag:s22] =	ssyncadd.s32 $0xFFFFE000  }
0x32: {  	_ =	swait.ge [sflag:s19], $0x2000  }
0x33: {  	[sflag:s19] =	ssyncset.done $0x0  }
0x34: {  	s28 =	simm.s32 $0x80;
	[sflag:s19] =	ssyncadd.s32 $0xFFFFE000  }
0x35: {  	[tilespmem:s25], [sflag:$0x2] =	stream.indirect.gather [spmem:s2], $0x40, s28, s23, $0xb8;
	[tilespmem:$0x1CB40] =	vst v63  }
0x36: {  	s28 =	simm.s32 $0x2880  }
0x37: {  	[spmem:s3] =	stream.indirect.scatter.add.f32 [tilespmem:s24], [sflag:$0x3], $0x40, s28, s23, $0xb8;
	[tilespmem:$0x1CB40] =	vst v63  }
0x38: {  	_ =	swait.ge [sflag:s21], $0x2000  }
0x39: {  	[sflag:s21] =	ssyncset.done $0x0  }
0x3a: {  	[sflag:s21] =	ssyncadd.s32 $0xFFFFE000  }
0x3b: {  	_ =	swait.ge [sflag:s20], $0x2000  }
0x3c: {  	[sflag:s20] =	ssyncset.done $0x0  }
0x3d: {  	s28 =	simm.s32 $0x100;
	[sflag:s20] =	ssyncadd.s32 $0xFFFFE000  }
0x3e: {  	[tilespmem:s24], [sflag:$0x1] =	stream.indirect.gather [spmem:s2], $0x40, s28, s23, $0xb8;
	[tilespmem:$0x1CB40] =	vst v63  }
0x3f: {  	s29 =	simm.s32 $0x2900;
	s28 =	simm.s32 $0x400  }
.LBB2_2:
0x40: {  	[spmem:s3] =	stream.indirect.scatter.add.f32 [tilespmem:s25], [sflag:$0x4], $0x40, s29, s23, $0xb8;
	[tilespmem:$0x1CB40] =	vst v63  }
0x41: {  	s29 =	smov.u32 s28  }
0x42: {  	p0 =	sne.s32 s28, $0x9C00;
	s28 =	sadd.s32 $0x400, s28;
	_ =	swait.ge [sflag:s22], $0x2000  }
0x43: {  	[sflag:s22] =	ssyncset.done $0x0  }
0x44: {  	[sflag:s22] =	ssyncadd.s32 $0xFFFFE000  }
0x45: {  	_ =	swait.ge [sflag:s19], $0x2000  }
0x46: {  	s29 =	sshra.s32 s29, $0x2;
	[sflag:s19] =	ssyncset.done $0x0  }
0x47: {  	s30 =	sadd.s32 $0x80, s29;
	[sflag:s19] =	ssyncadd.s32 $0xFFFFE000  }
0x48: {  	[tilespmem:s25], [sflag:$0x2] =	stream.indirect.gather [spmem:s2], $0x40, s30, s23, $0xb8;
	[tilespmem:$0x1CB40] =	vst v63  }
0x49: {  	s30 =	sadd.s32 $0x2880, s29  }
0x4a: {  	[spmem:s3] =	stream.indirect.scatter.add.f32 [tilespmem:s24], [sflag:$0x3], $0x40, s30, s23, $0xb8;
	[tilespmem:$0x1CB40] =	vst v63  }
0x4b: {  	_ =	swait.ge [sflag:s21], $0x2000  }
0x4c: {  	[sflag:s21] =	ssyncset.done $0x0  }
0x4d: {  	[sflag:s21] =	ssyncadd.s32 $0xFFFFE000  }
.Ltmp0:
0x4e: {  	_ =	swait.ge [sflag:s20], $0x2000;
	(pc) =	sbr.rel @p0 .LBB2_2-.Ltmp0, $4  }
0x4f: {  	[sflag:s20] =	ssyncset.done $0x0  }
0x50: {  	s30 =	sadd.s32 $0x100, s29;
	[sflag:s20] =	ssyncadd.s32 $0xFFFFE000  }
0x51: {  	[tilespmem:s24], [sflag:$0x1] =	stream.indirect.gather [spmem:s2], $0x40, s30, s23, $0xb8;
	[tilespmem:$0x1CB40] =	vst v63  }
0x52: {  	s29 =	sadd.s32 $0x2900, s29  }
0x53: {  	[spmem:s3] =	stream.indirect.scatter.add.f32 [tilespmem:s25], [sflag:$0x4], $0x40, s29, s23, $0xb8;
	[tilespmem:$0x1CB40] =	vst v63  }
0x54: {  	_ =	swait.ge [sflag:s22], $0x2000  }
0x55: {  	[sflag:s22] =	ssyncset.done $0x0  }
0x56: {  	[sflag:s22] =	ssyncadd.s32 $0xFFFFE000  }
0x57: {  	_ =	swait.ge [sflag:s19], $0x2000  }
0x58: {  	s26 =	sadd.s32 $0x1, s26;
	[sflag:s19] =	ssyncset.done $0x0  }
0x59: {  	p0 =	sne.s32 s26, s12;
	[sflag:s19] =	ssyncadd.s32 $0xFFFFE000  }
.Ltmp1:
0x5a: {  	[bflag:$0x0] =	sbarrier.arrive $0xFFFF;
	(pc) =	sbr.rel @p0 .LBB2_1-.Ltmp1, $4  }
0x5b: {  	[hbm:s11], [sflag:s16] =	dma.local [spmem:s17], $0x13C0  }
0x5c: {  	_ =	swait.ge [sflag:s18], $0x13C0  }
0x5d: {  	[sflag:s18] =	ssyncset.done $0x0  }
0x5e: {  	[sflag:s18] =	ssyncadd.s32 $0xFFFFEC40  }
0x5f: {  	_ =	sfence.sel $0x180000  }
0x60: {  	[bflag:$0x0] =	sbarrier.arrive $0xFFFF  }
0x61: {  	p0 =	sne.s32 s0, $0x0;
	_ =	strace $0x9000004D  }
0x62: {  	s0 =	sadd.s32 @!p0 $0x100000, s1;
	[bflag:$0x2] =	sbarrier.arrive $0xFFFF  }
0x63: {  	[sflag:s0] =	ssyncadd.tile.s32 @!p0 $0x1;
	_ =	shalt  }
.Lfunc_end2:
_tile_overlayer_lowered:
.L_overlay_start_2:
0x64: {  	(tag) =	ssettag $0x2  }
0x65: {  	s0 =	rddreg [dreg:$0x0];
	s2 =	stileid.u32  }
0x66: {  	s1 =	rddreg [dreg:$0x1];
	p0 =	sne.s32 s2, $0x0  }
0x67: {  	s3 =	rddreg [dreg:$0x2];
	[bflag:$0x3] =	sbarrier.arrive $0xFFFF;
	s2 =	simm.s32 @!p0 $0x1C05  }
0x68: {  	[timem:s3], [sflag:s2] =	dma.local @!p0 [hbm:s0], s1  }
0x69: {  	s0 =	simm.s32 @!p0 $0x5  }
0x6a: {  	_ =	swait.ge @!p0 [sflag:s0], s1  }
0x6b: {  	s1 =	ssub.s32 @!p0 $0x0, s1;
	[sflag:s0] =	ssyncset.done @!p0 $0x0  }
0x6c: {  	[sflag:s0] =	ssyncadd.s32 @!p0 s1  }
0x6d: {  	[bflag:$0x3] =	sbarrier.arrive $0xFFFF  }
0x6e: {  	_ =	shalt  }

// kernel: kernel.8.cloned.1.call-start
scs
__scs_entry_jumppad:
0x0: {  	(pc) =	sbr.rel $0x88, $3  }
0x1: {  	(tag) =	ssettag $0x0;
	lr =	simm.s32 $0x1  }
0x2: {  	[smem:$0x3F99] =	sst lr;
	_ =	strace $0xD0000000  }
0x3: {  	_ = 	snop  }
0x4: {  	_ = 	snop  }
0x5: {  	_ = 	snop  }
0x6: {  	_ = 	snop  }
0x7: {  	_ = 	snop  }
__scs_overlays_trampoline_lowered:
0x8: {  	[smem:$0x3FA8] =	sst s0  }
0x9: {  	[smem:$0x3FA9] =	sst s1  }
0xa: {  	[smem:$0x3FAA] =	sst s2  }
0xb: {  	[smem:$0x3FAB] =	sst s3  }
0xc: {  	[smem:$0x3FAC] =	sst s4  }
0xd: {  	[smem:$0x3FAD] =	sst s5  }
0xe: {  	[smem:$0x3FAE] =	sst s6  }
0xf: {  	[smem:$0x3FAF] =	sst s7  }
0x10: {  	[smem:$0x3FB0] =	sst s8  }
0x11: {  	[smem:$0x3FB1] =	sst s9;
	s0 =	simm.s32 @!p0 $0x0  }
0x12: {  	s1 =	sld [smem:$0x3F97];
	s0 =	simm.s32 @p0 $0x1  }
0x13: {  	[smem:$0x3FB2] =	sst s0;
	s0 =	simm.s32 @!p1 $0x0  }
0x14: {  	s2 =	sld [smem:$0x3F96];
	s0 =	simm.s32 @p1 $0x1  }
0x15: {  	[smem:$0x3FB3] =	sst s0;
	s0 =	simm.s32 @!p2 $0x0  }
0x16: {  	s3 =	sld [smem:$0x3FDB];
	s0 =	simm.s32 @p2 $0x1  }
0x17: {  	s4 =	simm.s32 $0x1BF5;
	[smem:$0x3FB5] =	sst s0  }
0x18: {  	s0 =	sld [smem:$0x3F98];
	_ =	swait.ge [sflag:s4], $0x0  }
0x19: {  	s7 =	sld [smem:$0x3F99]  }
0x1a: {  	s8 =	sadd.s32 $0xFFFFE003, lr  }
0x1b: {  	s9 =	sadd.s32 $0xFFFFFEF7, lr;
	s5 =	simm.s32 $0xFFFFFFFF;
	p2 =	slt.u32 s8, $0xFFFFF086  }
0x1c: {  	p1 =	slt.u32 s9, $0xF7A;
	s5 =	simm.s32 @!p2 $0x0  }
0x1d: {  	s5 =	simm.s32 @p1 $0x1;
	p0 =	seq.s32 s7, s2  }
0x1e: {  	s7 =	smul.u32 @!p0 $0xF7A, s2;
	p2 =	seq.s32 @!p0 s5, $0x0  }
0x1f: {  	s9 =	smul.u32 $0xF7A, s1;
	s8 =	simm.s32 @!p0 $0x1BF5;
	p2 =	por !p2, p0  }
0x20: {  	[sflag:s8] =	ssyncset.s32 @!p0 $0xFFFFF086;
	s6 =	sadd.s32 @!p0 s3, s7;
	s7 =	simm.s32 @!p0 $0x108  }
0x21: {  	s3 =	sadd.s32 s3, s9;
	s6 =	sadd.s32 @!p0 $0x88, s6;
	s7 =	simm.s32 @p2 $0x1082  }
0x22: {  	[simem:s7], [sflag:s8] =	dma.local @!p0 [hbm:s6], $0xF7A  }
0x23: {  	s9 =	sor.u32 $0xD0000000, s2;
	s6 =	simm.s32 $0x108;
	_ =	swait.ge @!p0 [sflag:s8], $0x0  }
0x24: {  	s3 =	sadd.s32 $0x88, s3;
	s6 =	simm.s32 @!p1 $0x1082;
	[sflag:s4] =	ssyncset.s32 $0xFFFFF086  }
0x25: {  	[simem:s6], [sflag:s4] =	dma.local [hbm:s3], $0xF7A  }
0x26: {  	[smem:$0x3F99] =	sst s1;
	(tag) =	ssettag s2;
	_ =	strace s9  }
0x27: {  	s1 =	sld [smem:$0x3FA9]  }
0x28: {  	s2 =	sld [smem:$0x3FAA]  }
0x29: {  	s4 =	sld [smem:$0x3FAC]  }
0x2a: {  	p0 =	seq.s32 s5, $0x0;
	s5 =	sld [smem:$0x3FAD]  }
0x2b: {  	s6 =	sld [smem:$0x3FAE]  }
0x2c: {  	s7 =	sld [smem:$0x3FAF]  }
0x2d: {  	s3 =	simm.s32 $0x108;
	s8 =	sld [smem:$0x3FB0]  }
0x2e: {  	s3 =	simm.s32 @!p0 $0x1082;
	s9 =	sld [smem:$0x3FB1]  }
0x2f: {  	lr =	sadd.s32 s0, s3;
	s0 =	sld [smem:$0x3FA8]  }
0x30: {  	s3 =	sld [smem:$0x3FAB]  }
0x31: {  	[smem:$0x3FB4] =	sst s10  }
0x32: {  	s10 =	sld [smem:$0x3FB2];
	_ =	sdelay $0x3  }
0x33: {  	p0 =	seq.s32 s10, $0x1;
	s10 =	sld [smem:$0x3FB4];
	_ =	sdelay $0x3  }
0x34: {  	[smem:$0x3FB4] =	sst s10  }
0x35: {  	s10 =	sld [smem:$0x3FB3];
	_ =	sdelay $0x3  }
0x36: {  	p1 =	seq.s32 s10, $0x1;
	s10 =	sld [smem:$0x3FB4];
	_ =	sdelay $0x3  }
0x37: {  	[smem:$0x3FB4] =	sst s10  }
0x38: {  	s10 =	sld [smem:$0x3FB5]  }
0x39: {  	_ = 	snop;
	(pc) =	sbr.ind lr, $3  }
0x3a: {  	_ = 	snop  }
0x3b: {  	_ = 	snop  }
0x3c: {  	p2 =	seq.s32 s10, $0x1;
	s10 =	sld [smem:$0x3FB4]  }
0x3d: {  	_ =	shalt  }
0x3e: {  	_ =	shalt  }
0x3f: {  	_ =	shalt  }
0x40: {  	_ =	shalt  }
0x41: {  	_ =	shalt  }
0x42: {  	_ =	shalt  }
0x43: {  	_ =	shalt  }
0x44: {  	_ =	shalt  }
0x45: {  	_ =	shalt  }
0x46: {  	_ =	shalt  }
0x47: {  	_ =	shalt  }
0x48: {  	_ =	shalt  }
0x49: {  	_ =	shalt  }
0x4a: {  	_ =	shalt  }
0x4b: {  	_ =	shalt  }
0x4c: {  	_ =	shalt  }
0x4d: {  	_ =	shalt  }
0x4e: {  	_ =	shalt  }
0x4f: {  	_ =	shalt  }
0x50: {  	_ =	shalt  }
0x51: {  	_ =	shalt  }
0x52: {  	_ =	shalt  }
0x53: {  	_ =	shalt  }
0x54: {  	_ =	shalt  }
0x55: {  	_ =	shalt  }
0x56: {  	_ =	shalt  }
0x57: {  	_ =	shalt  }
0x58: {  	_ =	shalt  }
0x59: {  	_ =	shalt  }
0x5a: {  	_ =	shalt  }
0x5b: {  	_ =	shalt  }
0x5c: {  	_ =	shalt  }
0x5d: {  	_ =	shalt  }
0x5e: {  	_ =	shalt  }
0x5f: {  	_ =	shalt  }
0x60: {  	_ =	shalt  }
0x61: {  	_ =	shalt  }
0x62: {  	_ =	shalt  }
0x63: {  	_ =	shalt  }
0x64: {  	_ =	shalt  }
0x65: {  	_ =	shalt  }
0x66: {  	_ =	shalt  }
0x67: {  	_ =	shalt  }
0x68: {  	_ =	shalt  }
0x69: {  	_ =	shalt  }
0x6a: {  	_ =	shalt  }
0x6b: {  	_ =	shalt  }
0x6c: {  	_ =	shalt  }
0x6d: {  	_ =	shalt  }
0x6e: {  	_ =	shalt  }
0x6f: {  	_ =	shalt  }
0x70: {  	_ =	shalt  }
0x71: {  	_ =	shalt  }
0x72: {  	_ =	shalt  }
0x73: {  	_ =	shalt  }
0x74: {  	_ =	shalt  }
0x75: {  	_ =	shalt  }
0x76: {  	_ =	shalt  }
0x77: {  	_ =	shalt  }
0x78: {  	_ =	shalt  }
0x79: {  	_ =	shalt  }
0x7a: {  	_ =	shalt  }
0x7b: {  	_ =	shalt  }
0x7c: {  	_ =	shalt  }
0x7d: {  	_ =	shalt  }
0x7e: {  	_ =	shalt  }
0x7f: {  	_ =	shalt  }
0x80: {  	_ =	shalt  }
0x81: {  	_ =	shalt  }
0x82: {  	_ =	shalt  }
0x83: {  	_ =	shalt  }
0x84: {  	_ =	shalt  }
0x85: {  	_ =	shalt  }
0x86: {  	_ =	shalt  }
0x87: {  	_ =	shalt  }
.Lfunc_end0:
.L_simem_size_0:
called_computation_lowered:
.L_overlay_start_0:
0x88: {  	s2 =	sld [smem:$0x3FD9]  }
0x89: {  	s3 =	sld [smem:$0x3FFE];
	_ =	sdelay $0x1  }
0x8a: {  	s1 =	srdreg.scid  }
0x8b: {  	s0 =	sand.u32 $0x1, s1  }
0x8c: {  	s14 =	sshll.u32 s0, $0xA;
	s2 =	sadd.s32 s3, s2  }
0x8d: {  	s2 =	sadd.s32 s2, s14  }
0x8e: {  	[smem:$0x3FC0] =	sst s2  }
0x8f: {  	_ = 	snop  }
0x90: {  	s2 =	sld [smem:$0x3FD0];
	_ =	sdelay $0x2  }
0x91: {  	s15 =	simm.s32 $0xA;
	s4 =	simm.s32 $0x10  }
0x92: {  	[smem:s4], [sflag:s15] =	dma.local [hbm:s2], $0x1  }
0x93: {  	_ =	swait.eq [sflag:s15], $0x1  }
0x94: {  	[sflag:s15] =	ssyncset.done $0x0  }
0x95: {  	s16 =	sld [smem:$0x10];
	[sflag:s15] =	ssyncadd.s32 $0xFFFFFFFF  }
0x96: {  	s17 =	sld [smem:$0x11];
	(tm) =	ssettm $0x1  }
0x97: {  	s18 =	sld [smem:$0x3FFB];
	_ =	sdelay $0x3  }
0x98: {  	_ =	strace s18  }
0x99: {  	s4 =	sld [smem:$0x3FFC];
	_ =	sdelay $0x3  }
0x9a: {  	_ =	strace s4  }
0x9b: {  	s4 =	sld [smem:$0x3FFD];
	_ =	sdelay $0x3  }
0x9c: {  	_ =	strace s4  }
0x9d: {  	_ =	strace $0x8FFFFFFF  }
0x9e: {  	s19 =	sld [smem:$0x3FDB];
	_ =	sdelay $0x1  }
0x9f: {  	s5 =	simm.s32 $_scs_section_size  }
0xa0: {  	s6 =	simm.s32 $_size__tile_overlayer_lowered;
	s7 =	simm.s32 $_tile_overlayer_lowered  }
0xa1: {  	s22 =	simm.s32 $0x1BFF;
	s21 =	sshll.u32 s7, $0x1;
	s4 =	sadd.s32 s5, s19  }
0xa2: {  	s8 =	simm.s32 $0x0;
	s20 =	sshll.u32 s6, $0x1;
	s6 =	sadd.s32 s21, s4  }
0xa3: {  	[timem:s8], [sflag:s22] =	dma.local [hbm:s6], s20  }
0xa4: {  	_ =	swait.ge [sflag:s22], s20  }
0xa5: {  	s5 =	ssub.s32 $0x0, s20;
	[sflag:s22] =	ssyncset.done $0x0  }
0xa6: {  	[sflag:s22] =	ssyncadd.s32 s5;
	_ =	sdelay $0x1  }
0xa7: {  	s23 =	simm.s32 $0x1B8B  }
0xa8: {  	_ =	swait.ge [sflag:s23], $0x1  }
0xa9: {  	[sflag:s23] =	ssyncset.done $0x0  }
0xaa: {  	s25 =	simm.s32 $0x1B8E;
	s24 =	sld [smem:$0x3FFE];
	[sflag:s23] =	ssyncadd.s32 $0xFFFFFFFF  }
0xab: {  	s26 =	simm.s32 $execute0_lowered;
	[smem:$0x3FD2] =	sst s25  }
0xac: {  	s6 =	sshll.u32 s26, $0x1;
	_ =	strace $0x80000046;
	[dreg:$0x1] =	wrdreg $0xFFFFFFFF  }
0xad: {  	s28 =	simm.s32 $_size_execute0_lowered;
	s4 =	sadd.s32 s4, s6;
	[dreg:$0x0] =	wrdreg $0x0  }
0xae: {  	s6 =	sshll.u32 s28, $0x1;
	[dreg:$0x2] =	wrdreg s4  }
0xaf: {  	[dreg:$0x3] =	wrdreg s6  }
0xb0: {  	[dreg:$0x4] =	wrdreg $0xC0  }
0xb1: {  	_ =	task [dreg:s8], $0x5FFFF  }
0xb2: {  	[dreg:$0x1] =	wrdreg $0xFFFFFFFF  }
0xb3: {  	[dreg:$0x0] =	wrdreg $0x60  }
0xb4: {  	[dreg:$0x2] =	wrdreg s24  }
0xb5: {  	[dreg:$0x3] =	wrdreg s16  }
0xb6: {  	[dreg:$0x4] =	wrdreg s17  }
0xb7: {  	[dreg:$0x5] =	wrdreg $0x30000  }
0xb8: {  	[dreg:$0x6] =	wrdreg $0x9  }
0xb9: {  	_ =	task.clear_ibuf [dreg:s8], $0x7FFFF;
	_ =	strace $0x90000046  }
0xba: {  	s29 =	simm.s32 $0x9;
	_ =	strace $0x80000048  }
0xbb: {  	_ =	swait.ge [sflag:s29], $0x1  }
0xbc: {  	[sflag:s29] =	ssyncadd.s32 $0xFFFFFFFF  }
0xbd: {  	_ =	strace $0x90000048  }
0xbe: {  	_ =	sfence  }
0xbf: {  	s30 =	sld [smem:$0x0];
	_ =	sdelay $0x2  }
0xc0: {  	s31 =	sshll.u32 s1, $0xD;
	s1 =	sshrl.u32 s1, $0x2  }
0xc1: {  	s3 =	sand.u32 $0x4000, s31;
	s1 =	sadd.s32 s1, s30  }
0xc2: {  	s0 =	sor.u32 s3, s0;
	s1 =	sshll.u32 s1, $0x11  }
0xc3: {  	s0 =	sor.u32 s1, s0  }
0xc4: {  	s0 =	sadd.s32 $0x8F2B, s0  }
0xc5: {  	[sflag:s0] =	ssyncadd.remote.s32 $0x1  }
0xc6: {  	_ =	sfence.sel $0xFFFF  }
0xc7: {  	[dreg:$0x0] =	wrdreg $0xFFFFFFFF;
	(pc) =	sbr.abs _section_cstart, $3  }
0xc8: {  	[dreg:$0x1] =	wrdreg $0xFFFFFFFF  }
0xc9: {  	_ =	task.clear_ibuf [dreg:s8], $0x2FFFF;
	_ =	strace $0x9FFFFFFF  }
0xca: {  	(tm) =	ssettm $0x7FFFFFFF  }
0xcb: {  	_ =	shalt  }
tec
execute0_lowered:
.L_overlay_start_1:
0x0: {  	(tag) =	ssettag $0x1  }
0x1: {  	s4 =	rddreg [dreg:$0x0]  }
0x2: {  	s6 =	rddreg [dreg:$0x1]  }
0x3: {  	s8 =	rddreg [dreg:$0x2];
	s1 =	srdreg.scid  }
0x4: {  	s0 =	stileid.u32;
	s2 =	rddreg [dreg:$0x3];
	s3 =	simm.s32 $0x0  }
0x5: {  	s13 =	simm.s32 $0x1;
	s14 =	simm.s32 $0x80;
	s15 =	simm.s32 $0x0  }
0x6: {  	s5 =	sand.u32 $0x1, s1;
	s7 =	sshll.u32 s0, $0x1;
	s1 =	rddreg [dreg:$0x4]  }
0x7: {  	[smem:$0x7FF] =	sst s3;
	s10 =	smul.u32 $0x2780, s0;
	s31 =	sshll.u32 s0, $0x6  }
0x8: {  	s7 =	sor.u32 s5, s7;
	s9 =	ssub.s32 $0x2, s5;
	s12 =	smul.u32 $0x27800, s5  }
0x9: {  	_ =	strace $0x80000047;
	s7 =	smul.u32 $0x500, s7;
	s11 =	sshrl.u32 s9, $0x1  }
0xa: {  	s29 =	sadd.s32 s10, s2;
	s30 =	sshrl.u32 s10, $0x3;
	s9 =	ssub.s32 s9, s11  }
0xb: {  	s10 =	sadd.s32 s10, s12;
	s6 =	sadd.s32 s6, s30;
	s11 =	sshrl.u32 s29, $0x3  }
0xc: {  	s12 =	simm.s32 $0x2;
	s7 =	sadd.s32 s7, s4;
	s4 =	sadd.s32 $0xBC00, s4  }
0xd: {  	s10 =	sshrl.u32 s10, $0x3;
	s9 =	smax.u32 s9, $0x1;
	s5 =	sadd.s32 $0x1C00, s7  }
0xe: {  	s7 =	sor.u32 $0x1C02, s31;
	s8 =	sadd.s32 s8, s10;
	s10 =	simm.s32 $0x2800  }
.LBB2_1:
0xf: {  	[tilespmem:s3], [sflag:$0x1] =	stream.linear.gather [hbm4b:s5+s3], $0x2800, $0x38;
	[tilespmem:$0x5780] =	vst v63  }
0x10: {  	_ = 	snop  }
0x11: {  	[tilespmem:s10], [sflag:$0x1] =	stream.linear.gather [hbm4b:s4+s3], $0x800, $0x38;
	[tilespmem:$0x5780] =	vst v63  }
0x12: {  	[spmem:s11], [sflag:s7] =	dma.local [hbm:s6], $0x4F0  }
0x13: {  	_ =	swait.ge [sflag:s12], $0x4F0  }
0x14: {  	[sflag:s12] =	ssyncset.done $0x0  }
0x15: {  	[sflag:s12] =	ssyncadd.s32 $0xFFFFFB10  }
0x16: {  	_ =	swait.ge [sflag:s13], $0x2800  }
0x17: {  	[sflag:s13] =	ssyncset.done $0x0  }
0x18: {  	[sflag:s13] =	ssyncadd.s32 $0xFFFFD800  }
0x19: {  	_ =	swait.ge [sflag:s13], $0x800  }
0x1a: {  	[sflag:s13] =	ssyncset.done $0x0  }
0x1b: {  	[sflag:s13] =	ssyncadd.s32 $0xFFFFF800  }
0x1c: {  	s16 =	simm.s32 $0x0;
	[bflag:$0x0] =	sbarrier.arrive $0xFFFF  }
.LBB2_2:
0x1d: {  	p0 =	sne.s32 s16, $0x9E00  }
.Ltmp0:
0x1e: {  	_ = 	snop;
	(pc) =	sbr.rel @p0 .LBB2_2-.Ltmp0, $3  }
0x1f: {  	_ =	sdelay $0x1  }
0x20: {  	s17 =	sshra.s32 s16, $0x2;
	s16 =	sadd.s32 $0x200, s16  }
0x21: {  	[spmem:s2] =	stream.indirect.scatter.add.f32 [tilespmem:s10], [sflag:$0x1], $0x10, s17, s14, $0xb8;
	[tilespmem:$0x5780] =	vst v63  }
0x22: {  	_ =	swait.ge [sflag:s13], $0x800  }
0x23: {  	s16 =	simm.s32 $0x4F;
	[sflag:s13] =	ssyncset.done $0x0  }
.LBB2_4:
0x24: {  	p0 =	sne.s32 s16, $0x1;
	s16 =	sadd.s32 $0xFFFFFFFF, s16;
	[sflag:s13] =	ssyncadd.s32 $0xFFFFF800  }
.Ltmp1:
0x25: {  	(pc) =	sbr.rel @p0 .LBB2_4-.Ltmp1, $3  }
0x26: {  	_ =	sdelay $0x1  }
0x27: {  	_ =	swait.ge [sflag:s13], $0x800  }
0x28: {  	[sflag:s13] =	ssyncset.done $0x0  }
0x29: {  	s15 =	sadd.s32 $0x1, s15  }
0x2a: {  	[sflag:s13] =	ssyncadd.s32 $0xFFFFF800;
	p0 =	sne.s32 s15, s9  }
.Ltmp2:
0x2b: {  	[bflag:$0x0] =	sbarrier.arrive $0xFFFF;
	(pc) =	sbr.rel @p0 .LBB2_1-.Ltmp2, $4  }
0x2c: {  	[hbm:s8], [sflag:s7] =	dma.local [spmem:s11], $0x4F0  }
0x2d: {  	_ =	swait.ge [sflag:s12], $0x4F0  }
0x2e: {  	[sflag:s12] =	ssyncset.done $0x0  }
0x2f: {  	[sflag:s12] =	ssyncadd.s32 $0xFFFFFB10  }
0x30: {  	_ =	sfence.sel $0x180000  }
0x31: {  	[bflag:$0x0] =	sbarrier.arrive $0xFFFF  }
0x32: {  	p0 =	sne.s32 s0, $0x0;
	_ =	strace $0x90000047  }
0x33: {  	s0 =	sadd.s32 @!p0 $0x100000, s1;
	[bflag:$0x2] =	sbarrier.arrive $0xFFFF  }
0x34: {  	[sflag:s0] =	ssyncadd.tile.s32 @!p0 $0x1;
	_ =	shalt  }
.Lfunc_end2:
_tile_overlayer_lowered:
.L_overlay_start_2:
0x35: {  	(tag) =	ssettag $0x2  }
0x36: {  	s0 =	rddreg [dreg:$0x0];
	s2 =	stileid.u32  }
0x37: {  	s1 =	rddreg [dreg:$0x1];
	p0 =	sne.s32 s2, $0x0  }
0x38: {  	s3 =	rddreg [dreg:$0x2];
	[bflag:$0x3] =	sbarrier.arrive $0xFFFF;
	s2 =	simm.s32 @!p0 $0x1C02  }
0x39: {  	[timem:s3], [sflag:s2] =	dma.local @!p0 [hbm:s0], s1  }
0x3a: {  	s0 =	simm.s32 @!p0 $0x2  }
0x3b: {  	_ =	swait.ge @!p0 [sflag:s0], s1  }
0x3c: {  	s1 =	ssub.s32 @!p0 $0x0, s1;
	[sflag:s0] =	ssyncset.done @!p0 $0x0  }
0x3d: {  	[sflag:s0] =	ssyncadd.s32 @!p0 s1  }
0x3e: {  	[bflag:$0x3] =	sbarrier.arrive $0xFFFF  }
0x3f: {  	_ =	shalt  }

</sc_bundles>
